<compile_context>
chip_gen: v7x
topology: tpu7x:2x2x1
jax: 0.10.2.dev20260603
libtpu: 0.0.44.dev20260713+nightly
codegen_flags: <defaults>
</compile_context>

<pallas_src>
import numpy as np
import jax
import jax.numpy as jnp
from jax import lax
from jax.experimental import pallas as pl
from jax.experimental.pallas import tpu as pltpu
from jax.experimental.pallas import tpu_sc as plsc

_B, _N, _NBRS, _D, _T = 16, 256, 16, 128, 128
_H1, _H2, _EMB, _HEADS, _HOR, _NS = 256, 256, 256, 8, 16, 1000
_HD = _EMB // _HEADS


def _pos_enc_np(length, channels):
    ch = int(np.ceil(channels / 2) * 2)
    inv_freq = 1.0 / (10000 ** (np.arange(0, ch, 2, dtype=np.float64) / ch))
    pos = np.arange(length, dtype=np.float64)
    sin_inp = np.einsum('i,j->ij', pos, inv_freq)
    emb = np.concatenate([np.sin(sin_inp), np.cos(sin_inp)], axis=-1)
    return emb[:, :channels].astype(np.float32)


def _lrelu(x):
    return jnp.maximum(x, 0.01 * x)


def _policy_body(ne_ref, tgt_ref, sn_ref, et_ref, nm_ref,
                 wt_ref, wd_ref, wsg_ref, we_ref, b1_ref,
                 w2_ref, b2_ref, opw_ref,
                 gwt_ref, gb1_ref, gw2_ref, gb2_ref, gopw_ref,
                 bias_ref,
                 out_ref):
    ne = ne_ref[0]
    tgt = tgt_ref[0]
    sn = sn_ref[0]
    et = et_ref[0]
    nm = nm_ref[0]

    f32 = jnp.float32
    bf16 = jnp.bfloat16
    TILE = 256
    NT = _N // TILE
    tgt_p = jnp.dot(tgt, wt_ref[...], preferred_element_type=f32)
    dst_p = jnp.dot(ne, wd_ref[...], preferred_element_type=f32).astype(bf16)
    web = we_ref[...].astype(bf16)
    tb1 = tgt_p + b1_ref[...]
    gtb1 = (jnp.dot(tgt, gwt_ref[...], preferred_element_type=f32)
            + gb1_ref[...])
    w2b = w2_ref[...].astype(bf16)
    opwb = opw_ref[...].astype(bf16)

    for t in range(NT):
        rows = slice(t * TILE, (t + 1) * TILE)
        ne_t = ne[rows]
        sn_t = sn[rows]
        et_t = et[rows]
        nm_t = nm[rows]
        proj = jnp.dot(ne_t, wsg_ref[...], preferred_element_type=f32)

        idx = sn_t[:, :_NBRS]
        et16 = et_t[:, :_NBRS]
        iota = jax.lax.broadcasted_iota(jnp.int32, (TILE, _NBRS, _N), 2)
        idx3 = idx[:, :, None]
        amat = (idx3 == iota).astype(bf16)
        gath = jnp.dot(amat.reshape(TILE * _NBRS, _N), dst_p,
                       preferred_element_type=f32).astype(bf16)

        e1 = (et16 == 1).astype(f32)
        e2 = (et16 == 2).astype(f32)
        e1b = (et16 == 1).astype(bf16)[:, :, None]
        e2b = (et16 == 2).astype(bf16)[:, :, None]
        edge_p = e1b * web[0:1, :][None] + e2b * web[1:2, :][None]

        srcc = (proj[:, :_H1] + tb1).astype(bf16)
        h1 = gath.reshape(TILE, _NBRS, _H1) + srcc[:, None, :] + edge_p
        h1 = _lrelu(h1)
        h2 = (jnp.dot(h1.reshape(TILE * _NBRS, _H1), w2b,
                      preferred_element_type=f32).astype(bf16)
              + b2_ref[...].astype(bf16))
        h2 = _lrelu(h2)
        prod = h2.reshape(TILE, _NBRS, _H2) * opwb[None]
        pi_e = jnp.sum(prod.astype(f32), axis=2)
        mask_e = (e1 + e2) > 0
        pi_e = jnp.where(mask_e, pi_e, 0.0)

        g1 = _lrelu(proj[:, _H1:] + gtb1)
        g2 = _lrelu(jnp.dot(g1, gw2_ref[...], preferred_element_type=f32)
                    + gb2_ref[...])
        pi_g = jnp.sum(g2 * gopw_ref[...], axis=1, keepdims=True)
        pi_g = jnp.where(nm_t == 0.0, pi_g, 0.0)

        pi = jnp.concatenate([pi_e, pi_g], axis=1)
        pi = pi + bias_ref[...]
        logits = jnp.where(et_t != 0, pi, f32(-1e30))
        mx = jnp.max(logits, axis=1, keepdims=True)
        z = jnp.exp(logits - mx)
        prob = z / jnp.sum(z, axis=1, keepdims=True)
        out_ref[0, rows, :] = jnp.log(prob + 1e-5)



def _attn_body(tgt_ref, ne_ref, trav_ref, pe_ref,
               qw_ref, qb_ref, kw_ref, kb_ref, vw_ref, vb_ref,
               wq_ref, bq_ref, wk_ref, bk_ref, wv_ref, bv_ref,
               ow_ref, ob_ref, out_ref):
    f32 = jnp.float32
    tgt = tgt_ref[...]
    trav = trav_ref[...]
    valid = trav < _N

    iota = jax.lax.broadcasted_iota(jnp.int32, (_B, _HOR, _N), 2)
    trav3d = trav[:, :, None]
    oh = ((trav3d == iota) & (trav3d < _N)).astype(f32)
    sel_parts = []
    for b in range(_B):
        sel_parts.append(
            jnp.dot(oh[b], ne_ref[b], preferred_element_type=f32)[None])
    sel = jnp.concatenate(sel_parts, axis=0) + pe_ref[...][None]

    sel2 = sel.reshape(_B * _HOR, _D)
    keys = jnp.dot(sel2, kw_ref[...], preferred_element_type=f32) + kb_ref[...]
    vals = jnp.dot(sel2, vw_ref[...], preferred_element_type=f32) + vb_ref[...]
    query = jnp.dot(tgt, qw_ref[...], preferred_element_type=f32) + qb_ref[...]

    scale = f32(1.0 / np.sqrt(_HD))
    qp = (jnp.dot(query, wq_ref[...], preferred_element_type=f32) + bq_ref[...]) * scale
    kp = (jnp.dot(keys, wk_ref[...], preferred_element_type=f32) + bk_ref[...]
          ).reshape(_B, _HOR, _EMB)
    vp = (jnp.dot(vals, wv_ref[...], preferred_element_type=f32) + bv_ref[...]
          ).reshape(_B, _HOR, _EMB)

    outs = []
    for h in range(_HEADS):
        sl = slice(h * _HD, (h + 1) * _HD)
        qh = qp[:, sl]
        kh = kp[:, :, sl]
        vh = vp[:, :, sl]
        sc = jnp.sum(qh[:, None, :] * kh, axis=2)
        sc = jnp.where(valid, sc, jnp.float32(-1e30))
        mx = jnp.max(sc, axis=1, keepdims=True)
        z = jnp.exp(sc - mx)
        aw = z / jnp.sum(z, axis=1, keepdims=True)
        outs.append(jnp.sum(aw[:, :, None] * vh, axis=1))
    att = jnp.concatenate(outs, axis=1)
    att = jnp.dot(att, ow_ref[...], preferred_element_type=f32) + ob_ref[...]
    row = jnp.concatenate([tgt, att], axis=1)
    out_ref[...] = jnp.broadcast_to(row[:, None, :], (_B, _SC_REP, _T + _EMB))


_SC_NC = 2
_SC_REP = 40
_SC_CHUNK = 200


def _sc_bcast(att_hbm, trav_hbm, agg_hbm, samp_hbm, rows_v, samp_v, sem):
    wid = lax.axis_index("s") * _SC_NC + lax.axis_index("c")

    @pl.when(wid < _B)
    def _():
        b = wid
        nfill = _SC_CHUNK // _SC_REP
        fill = []
        for k in range(nfill):
            fill.append(pltpu.async_copy(
                att_hbm.at[pl.ds(b * _SC_REP, _SC_REP)],
                rows_v.at[pl.ds(k * _SC_REP, _SC_REP)], sem))
            fill.append(pltpu.async_copy(
                trav_hbm.at[pl.ds(b * _SC_REP, _SC_REP)],
                samp_v.at[pl.ds(k * _SC_REP, _SC_REP)], sem))
        for cp in fill:
            cp.wait()
        copies = []
        for k in range(_NS // _SC_CHUNK):
            base = b * _NS + k * _SC_CHUNK
            copies.append(pltpu.async_copy(
                rows_v, agg_hbm.at[pl.ds(base, _SC_CHUNK)], sem))
            copies.append(pltpu.async_copy(
                samp_v, samp_hbm.at[pl.ds(base, _SC_CHUNK)], sem))
        for cp in copies:
            cp.wait()


def kernel(target_agent_encoding, node_encodings, node_masks, s_next,
           edge_type, node_seq_gt, edge_on_route_mask, node_on_route_mask,
           params):
    p = params
    f32 = jnp.float32
    tgt = target_agent_encoding.astype(f32)
    ne = node_encodings.astype(f32)
    sn = s_next.astype(jnp.int32)
    et = edge_type.astype(jnp.int32)
    trav = node_seq_gt.astype(jnp.int32)
    nm = node_masks.reshape(_B, _N, 1)

    w1 = p['pi_h1_w']
    wt = w1[:, :_T].T
    ws = w1[:, _T:_T + _D].T
    wd = w1[:, _T + _D:_T + 2 * _D].T
    we = w1[:, _T + 2 * _D:].T
    b1 = p['pi_h1_b'].reshape(1, _H1)
    w2 = p['pi_h2_w'].T
    b2 = p['pi_h2_b'].reshape(1, _H2)
    opw = p['pi_op_w']
    gw = p['pi_h1_goal_w']
    gwt = gw[:, :_T].T
    gws = gw[:, _T:].T
    gb1 = p['pi_h1_goal_b'].reshape(1, _H1)
    gw2 = p['pi_h2_goal_w'].T
    gb2 = p['pi_h2_goal_b'].reshape(1, _H2)
    gopw = p['pi_op_goal_w']
    wsg = jnp.concatenate([ws, gws], axis=1)
    bias_row = jnp.concatenate(
        [jnp.broadcast_to(p['pi_op_b'].reshape(1, 1), (1, _NBRS)),
         p['pi_op_goal_b'].reshape(1, 1)], axis=1)

    tgt3 = tgt.reshape(_B, 1, _T)
    trav3 = trav.reshape(_B, 1, _HOR)
    travc = trav.reshape(_B, _HOR, 1)

    pe = jnp.asarray(_pos_enc_np(_HOR, _D))
    in_w, in_b = p['in_w'], p['in_b']
    wq2 = in_w[:_EMB].T
    wk2 = in_w[_EMB:2 * _EMB].T
    wv2 = in_w[2 * _EMB:].T
    bq = in_b[:_EMB].reshape(1, _EMB)
    bk = in_b[_EMB:2 * _EMB].reshape(1, _EMB)
    bv = in_b[2 * _EMB:].reshape(1, _EMB)

    wfull = pl.BlockSpec(index_map=lambda b: (0, 0))

    att_rep = pl.pallas_call(
        _attn_body,
        out_shape=jax.ShapeDtypeStruct((_B, _SC_REP, _T + _EMB), f32),
    )(tgt, ne, trav, pe,
      p['q_w'].T, p['q_b'].reshape(1, _EMB),
      p['k_w'].T, p['k_b'].reshape(1, _EMB),
      p['v_w'].T, p['v_b'].reshape(1, _EMB),
      wq2, bq, wk2, bk, wv2, bv,
      p['out_w'].T, p['out_b'].reshape(1, _EMB))

    trav_rep = jnp.broadcast_to(trav[:, None, :], (_B, _SC_REP, _HOR))

    mesh = plsc.VectorSubcoreMesh(core_axis_name="c", subcore_axis_name="s")
    agg_flat, samp_flat = pl.kernel(
        _sc_bcast,
        mesh=mesh,
        out_type=[
            jax.ShapeDtypeStruct((_B * _NS, _T + _EMB), f32),
            jax.ShapeDtypeStruct((_B * _NS, _HOR), jnp.int32),
        ],
        scratch_types=[
            pltpu.VMEM((_SC_CHUNK, _T + _EMB), f32),
            pltpu.VMEM((_SC_CHUNK, _HOR), jnp.int32),
            pltpu.SemaphoreType.DMA,
        ],
    )(att_rep.reshape(_B * _SC_REP, _T + _EMB),
      trav_rep.reshape(_B * _SC_REP, _HOR))

    log_pi = pl.pallas_call(
        _policy_body,
        grid=(_B,),
        in_specs=[
            pl.BlockSpec((1, _N, _D), lambda b: (b, 0, 0)),
            pl.BlockSpec((1, 1, _T), lambda b: (b, 0, 0)),
            pl.BlockSpec((1, _N, _NBRS + 1), lambda b: (b, 0, 0)),
            pl.BlockSpec((1, _N, _NBRS + 1), lambda b: (b, 0, 0)),
            pl.BlockSpec((1, _N, 1), lambda b: (b, 0, 0)),
            wfull, wfull, wfull, wfull, wfull,
            wfull, wfull, wfull,
            wfull, wfull, wfull, wfull, wfull,
            wfull,
        ],
        out_specs=pl.BlockSpec((1, _N, _NBRS + 1), lambda b: (b, 0, 0)),
        out_shape=jax.ShapeDtypeStruct((_B, _N, _NBRS + 1), f32),
        compiler_params=pltpu.CompilerParams(
            dimension_semantics=("arbitrary",),
            vmem_limit_bytes=100 * 1024 * 1024,
            skip_device_barrier=True),
    )(ne, tgt3, sn, et, nm,
      wt, wd, wsg, we, b1, w2, b2, opw,
      gwt, gb1, gw2, gb2, gopw, bias_row)

    agg_enc = agg_flat.reshape(_B, _NS, _T + _EMB)
    samp = samp_flat.reshape(_B, _NS, _HOR)
    return agg_enc, log_pi, samp

# --- scband reference (transcript-rebuilt; emitter-appended) ---
"""Pipeline reference for scband-pgp-31421980737811 (READ-ONLY COPY).

The authoritative reference and input builder live on the scoring server;
editing this copy changes nothing except your own understanding.
"""

import jax, jax.numpy as jnp
import numpy as np

B, N, NBRS, D, T, H1, H2, EMB, HEADS, HOR, NS = 16, 256, 16, 128, 128, 256, 256, 256, 8, 16, 1000

def _pos_enc_1d(length, channels):
    ch = int(np.ceil(channels / 2) * 2)
    inv_freq = 1.0 / (10000 ** (np.arange(0, ch, 2, dtype=np.float64) / ch))
    pos = np.arange(length, dtype=np.float64)
    sin_inp = np.einsum('i,j->ij', pos, inv_freq)
    emb = np.concatenate([np.sin(sin_inp), np.cos(sin_inp)], axis=-1)
    return jnp.asarray(emb[:, :channels], dtype=jnp.float32)

def _lin(x, w, b):
    return x @ w.T + b

def _lrelu(x):
    return jax.nn.leaky_relu(x, 0.01)

def _init_params(key):
    ks = jax.random.split(key, 12)
    def w(k, shape):
        return 0.02 * jax.random.normal(k, shape, jnp.float32)
    in_dim = 2 * D + T + 2
    return {
        'pi_h1_w': w(ks[0], (H1, in_dim)), 'pi_h1_b': jnp.zeros((H1,), jnp.float32),
        'pi_h2_w': w(ks[1], (H2, H1)), 'pi_h2_b': jnp.zeros((H2,), jnp.float32),
        'pi_op_w': w(ks[2], (1, H2)), 'pi_op_b': jnp.zeros((1,), jnp.float32),
        'pi_h1_goal_w': w(ks[3], (H1, D + T)), 'pi_h1_goal_b': jnp.zeros((H1,), jnp.float32),
        'pi_h2_goal_w': w(ks[4], (H2, H1)), 'pi_h2_goal_b': jnp.zeros((H2,), jnp.float32),
        'pi_op_goal_w': w(ks[5], (1, H2)), 'pi_op_goal_b': jnp.zeros((1,), jnp.float32),
        'q_w': w(ks[6], (EMB, T)), 'q_b': jnp.zeros((EMB,), jnp.float32),
        'k_w': w(ks[7], (EMB, D)), 'k_b': jnp.zeros((EMB,), jnp.float32),
        'v_w': w(ks[8], (EMB, D)), 'v_b': jnp.zeros((EMB,), jnp.float32),
        'in_w': w(ks[9], (3 * EMB, EMB)), 'in_b': jnp.zeros((3 * EMB,), jnp.float32),
        'out_w': w(ks[10], (EMB, EMB)), 'out_b': jnp.zeros((EMB,), jnp.float32),
    }

def _compute_policy(p, tgt, node_enc, node_masks, s_next, edge_type):
    b, n, d = node_enc.shape
    m = s_next.shape[2] - 1
    src = jnp.broadcast_to(node_enc[:, :, None, :], (b, n, m, d))
    dst_idx = s_next[:, :, :-1].astype(jnp.int32)
    dst = jax.vmap(lambda ne, idx: ne[idx])(node_enc, dst_idx)
    tgt_b = jnp.broadcast_to(tgt[:, None, None, :], (b, n, m, tgt.shape[-1]))
    e1 = (edge_type[:, :, :-1] == 1).astype(jnp.float32)[..., None]
    e2 = (edge_type[:, :, :-1] == 2).astype(jnp.float32)[..., None]
    edge_enc = jnp.concatenate([e1, e2], axis=3)
    enc = jnp.concatenate([tgt_b, src, dst, edge_enc], axis=3)
    enc_goal = jnp.concatenate([tgt_b[:, :, 0, :], src[:, :, 0, :]], axis=2)
    masks = jnp.sum(edge_enc, axis=3) > 0
    masks_goal = node_masks == 0
    h = _lrelu(_lin(enc, p['pi_h1_w'], p['pi_h1_b']))
    h = _lrelu(_lin(h, p['pi_h2_w'], p['pi_h2_b']))
    pi_e = _lin(h, p['pi_op_w'], p['pi_op_b'])[..., 0]
    pi_e = jnp.where(masks, pi_e, 0.0)
    g = _lrelu(_lin(enc_goal, p['pi_h1_goal_w'], p['pi_h1_goal_b']))
    g = _lrelu(_lin(g, p['pi_h2_goal_w'], p['pi_h2_goal_b']))
    pi_g = _lin(g, p['pi_op_goal_w'], p['pi_op_goal_b'])
    pi_g = jnp.where(masks_goal[..., None], pi_g, 0.0)
    pi = jnp.concatenate([pi_e, pi_g], axis=2)
    op_masks = jnp.log((edge_type != 0).astype(jnp.float32))
    return jnp.exp(jax.nn.log_softmax(pi + op_masks, axis=2))

def _mha(p, q, k, v, kpm, heads):
    e = q.shape[-1]
    wq, wk, wv = p['in_w'][:e], p['in_w'][e:2 * e], p['in_w'][2 * e:]
    bq, bk, bv = p['in_b'][:e], p['in_b'][e:2 * e], p['in_b'][2 * e:]
    u, L = q.shape[1], k.shape[0]
    hd = e // heads
    qp = (q @ wq.T + bq) / np.sqrt(hd)
    kp = k @ wk.T + bk
    vp = v @ wv.T + bv
    qh = qp.transpose(1, 0, 2).reshape(u, 1, heads, hd).transpose(0, 2, 1, 3)
    kh = kp.transpose(1, 0, 2).reshape(u, L, heads, hd).transpose(0, 2, 1, 3)
    vh = vp.transpose(1, 0, 2).reshape(u, L, heads, hd).transpose(0, 2, 1, 3)
    scores = qh @ kh.transpose(0, 1, 3, 2)
    scores = jnp.where(kpm[:, None, None, :], -jnp.inf, scores)
    attn = jax.nn.softmax(scores, axis=-1)
    out = attn @ vh
    out = out.transpose(0, 2, 1, 3).reshape(u, 1, e).transpose(1, 0, 2)
    return out @ p['out_w'].T + p['out_b']

def _aggregate(p, node_seq_gt_np, node_enc, tgt):
    b, n, d = node_enc.shape
    trav = node_seq_gt_np
    cnts = np.full((b,), NS, dtype=np.int64)
    bi = np.repeat(np.arange(b, dtype=np.int64)[:, None], HOR, axis=1)
    ne = jnp.concatenate([node_enc, jnp.zeros_like(node_enc)], axis=1)
    sel = ne[bi, trav] + _pos_enc_1d(HOR, d)[None]
    tgt_b = tgt[bi[:, 0]]
    query = _lin(tgt_b, p['q_w'], p['q_b'])[None]
    keys = _lin(sel, p['k_w'], p['k_b']).transpose(1, 0, 2)
    vals = _lin(sel, p['v_w'], p['v_b']).transpose(1, 0, 2)
    kpm = trav >= n
    att = _mha(p, query, keys, vals, kpm, HEADS)[0]
    att = jnp.repeat(att, jnp.asarray(cnts), axis=0, total_repeat_length=b * NS).reshape(b, NS, -1)
    return jnp.concatenate([jnp.broadcast_to(tgt[:, None, :], (b, NS, tgt.shape[-1])), att], axis=-1)

def setup_inputs(seed: int = 0):
    key = jax.random.key(seed)
    ks = jax.random.split(key, 10)
    tgt = jax.random.normal(ks[0], (B, T), jnp.float32)
    node_enc = jax.random.normal(ks[1], (B, N, D), jnp.float32)
    node_masks = jnp.zeros((B, N), jnp.float32)
    s_next = jax.random.randint(ks[2], (B, N, NBRS + 1), 0, N)
    edge_type = jax.random.randint(ks[3], (B, N, NBRS + 1), 0, 3)
    edge_type = edge_type.at[:, :, -1].set(3)
    node_seq_gt = jax.random.randint(ks[4], (B, HOR), 0, 2 * N)
    node_seq_gt = node_seq_gt.at[:, 0].set(node_seq_gt[:, 0] % N)
    return {'target_agent_encoding': tgt, 'node_encodings': node_enc, 'node_masks': node_masks,
            's_next': s_next, 'edge_type': edge_type, 'node_seq_gt': node_seq_gt,
            'edge_on_route_mask': jnp.ones((B, N, NBRS + 1), jnp.float32),
            'node_on_route_mask': jnp.ones((B, N), jnp.float32),
            'params': _init_params(ks[5])}

def reference(target_agent_encoding, node_encodings, node_masks, s_next, edge_type, node_seq_gt, edge_on_route_mask, node_on_route_mask, params):
    pi = _compute_policy(params, target_agent_encoding, node_encodings, node_masks, s_next, edge_type)
    sampled_traversals = jnp.repeat(node_seq_gt[:, None, :], NS, axis=1)
    agg_enc = _aggregate(params, node_seq_gt, node_encodings, target_agent_encoding)
    return agg_enc, jnp.log(pi + 1e-05), sampled_traversals

if __name__ == "__main__":
    import jax
    _d = setup_inputs()
    print(jax.jit(kernel)(*tuple(_d.values())))

</pallas_src>

<mosaic_0001>
#map = affine_map<(d0, d1) -> (0, 0)>
module attributes {stable_mosaic.version = 14 : i64} {
  func.func @_sc_bcast(%arg0: i32, %arg1: i32, %arg2: memref<640x384xf32, #tpu.memory_space<hbm>>, %arg3: memref<640x16xi32, #tpu.memory_space<hbm>>, %arg4: memref<16000x384xf32, #tpu.memory_space<hbm>>, %arg5: memref<16000x16xi32, #tpu.memory_space<hbm>>, %arg6: memref<200x384xf32, #tpu.memory_space<vmem>>, %arg7: memref<200x16xi32, #tpu.memory_space<vmem>>, %arg8: memref<!tpu.dma_semaphore, #tpu.memory_space<semaphore_mem>>) attributes {dimension_semantics = [#tpu.dimension_semantics<core_parallel>, #tpu.dimension_semantics<subcore_parallel>], iteration_bounds = array<i64: 2, 16>, scalar_prefetch = 0 : i64, scratch_operands = 3 : i64, tpu.core_type = #tpu.core_type<sc_vector_subcore>, window_params = [{transform_indices = #map}, {transform_indices = #map}, {transform_indices = #map}, {transform_indices = #map}]} {
    %mul3A = arith.constant 2 : i32
    %mul3A_0 = arith.muli %arg1, %mul3A : i32
    %add3A = arith.addi %mul3A_0, %arg0 : i32
    %lt3A = arith.constant 16 : i32
    %lt3A_1 = arith.cmpi slt, %add3A, %lt3A : i32
    %convert_element_type3A = arith.extui %lt3A_1 : i1 to i32
    %cond3A = arith.constant 0 : i32
    %cond3A_2 = arith.cmpi ne, %convert_element_type3A, %cond3A : i32
    scf.if %cond3A_2 {
      %mul3A_3 = arith.constant 40 : i32
      %mul3A_4 = arith.muli %add3A, %mul3A_3 : i32
      %dma_start3A = arith.constant 0 : i32
      %dma_start3A_5 = arith.constant 0 : i32
      %dma_start3A_6 = tpu.memref_slice %arg6[%dma_start3A, %dma_start3A_5] : memref<200x384xf32, #tpu.memory_space<vmem>> -> memref<40x384xf32, #tpu.memory_space<vmem>>
      %dma_start3A_7 = arith.constant 0 : i32
      %dma_start3A_8 = tpu.memref_slice %arg2[%mul3A_4, %dma_start3A_7] : memref<640x384xf32, #tpu.memory_space<hbm>> -> memref<40x384xf32, #tpu.memory_space<hbm>>
      %dma_start3A_9 = arith.constant 0 : i32
      %dma_start3A_10 = arith.constant 0 : i32
      %dma_start3A_11 = tpu.memref_slice %arg6[%dma_start3A_9, %dma_start3A_10] : memref<200x384xf32, #tpu.memory_space<vmem>> -> memref<40x384xf32, #tpu.memory_space<vmem>>
      %dma_start3A_12 = arith.constant 0 : i32
      %dma_start3A_13 = tpu.memref_slice %arg2[%mul3A_4, %dma_start3A_12] : memref<640x384xf32, #tpu.memory_space<hbm>> -> memref<40x384xf32, #tpu.memory_space<hbm>>
      tpu.enqueue_dma source(%dma_start3A_13 : memref<40x384xf32, #tpu.memory_space<hbm>>) target(%dma_start3A_11 : memref<40x384xf32, #tpu.memory_space<vmem>>) target_semaphore(%arg8 : memref<!tpu.dma_semaphore, #tpu.memory_space<semaphore_mem>>)
      %mul3A_14 = arith.constant 40 : i32
      %mul3A_15 = arith.muli %add3A, %mul3A_14 : i32
      %dma_start3A_16 = arith.constant 0 : i32
      %dma_start3A_17 = arith.constant 0 : i32
      %dma_start3A_18 = tpu.memref_slice %arg7[%dma_start3A_16, %dma_start3A_17] : memref<200x16xi32, #tpu.memory_space<vmem>> -> memref<40x16xi32, #tpu.memory_space<vmem>>
      %dma_start3A_19 = arith.constant 0 : i32
      %dma_start3A_20 = tpu.memref_slice %arg3[%mul3A_15, %dma_start3A_19] : memref<640x16xi32, #tpu.memory_space<hbm>> -> memref<40x16xi32, #tpu.memory_space<hbm>>
      %dma_start3A_21 = arith.constant 0 : i32
      %dma_start3A_22 = arith.constant 0 : i32
      %dma_start3A_23 = tpu.memref_slice %arg7[%dma_start3A_21, %dma_start3A_22] : memref<200x16xi32, #tpu.memory_space<vmem>> -> memref<40x16xi32, #tpu.memory_space<vmem>>
      %dma_start3A_24 = arith.constant 0 : i32
      %dma_start3A_25 = tpu.memref_slice %arg3[%mul3A_15, %dma_start3A_24] : memref<640x16xi32, #tpu.memory_space<hbm>> -> memref<40x16xi32, #tpu.memory_space<hbm>>
      tpu.enqueue_dma source(%dma_start3A_25 : memref<40x16xi32, #tpu.memory_space<hbm>>) target(%dma_start3A_23 : memref<40x16xi32, #tpu.memory_space<vmem>>) target_semaphore(%arg8 : memref<!tpu.dma_semaphore, #tpu.memory_space<semaphore_mem>>)
      %mul3A_26 = arith.constant 40 : i32
      %mul3A_27 = arith.muli %add3A, %mul3A_26 : i32
      %dma_start3A_28 = arith.constant 40 : i32
      %dma_start3A_29 = arith.constant 0 : i32
      %dma_start3A_30 = tpu.memref_slice %arg6[%dma_start3A_28, %dma_start3A_29] : memref<200x384xf32, #tpu.memory_space<vmem>> -> memref<40x384xf32, #tpu.memory_space<vmem>>
      %dma_start3A_31 = arith.constant 0 : i32
      %dma_start3A_32 = tpu.memref_slice %arg2[%mul3A_27, %dma_start3A_31] : memref<640x384xf32, #tpu.memory_space<hbm>> -> memref<40x384xf32, #tpu.memory_space<hbm>>
      %dma_start3A_33 = arith.constant 40 : i32
      %dma_start3A_34 = arith.constant 0 : i32
      %dma_start3A_35 = tpu.memref_slice %arg6[%dma_start3A_33, %dma_start3A_34] : memref<200x384xf32, #tpu.memory_space<vmem>> -> memref<40x384xf32, #tpu.memory_space<vmem>>
      %dma_start3A_36 = arith.constant 0 : i32
      %dma_start3A_37 = tpu.memref_slice %arg2[%mul3A_27, %dma_start3A_36] : memref<640x384xf32, #tpu.memory_space<hbm>> -> memref<40x384xf32, #tpu.memory_space<hbm>>
      tpu.enqueue_dma source(%dma_start3A_37 : memref<40x384xf32, #tpu.memory_space<hbm>>) target(%dma_start3A_35 : memref<40x384xf32, #tpu.memory_space<vmem>>) target_semaphore(%arg8 : memref<!tpu.dma_semaphore, #tpu.memory_space<semaphore_mem>>)
      %mul3A_38 = arith.constant 40 : i32
      %mul3A_39 = arith.muli %add3A, %mul3A_38 : i32
      %dma_start3A_40 = arith.constant 40 : i32
      %dma_start3A_41 = arith.constant 0 : i32
      %dma_start3A_42 = tpu.memref_slice %arg7[%dma_start3A_40, %dma_start3A_41] : memref<200x16xi32, #tpu.memory_space<vmem>> -> memref<40x16xi32, #tpu.memory_space<vmem>>
      %dma_start3A_43 = arith.constant 0 : i32
      %dma_start3A_44 = tpu.memref_slice %arg3[%mul3A_39, %dma_start3A_43] : memref<640x16xi32, #tpu.memory_space<hbm>> -> memref<40x16xi32, #tpu.memory_space<hbm>>
      %dma_start3A_45 = arith.constant 40 : i32
      %dma_start3A_46 = arith.constant 0 : i32
      %dma_start3A_47 = tpu.memref_slice %arg7[%dma_start3A_45, %dma_start3A_46] : memref<200x16xi32, #tpu.memory_space<vmem>> -> memref<40x16xi32, #tpu.memory_space<vmem>>
      %dma_start3A_48 = arith.constant 0 : i32
      %dma_start3A_49 = tpu.memref_slice %arg3[%mul3A_39, %dma_start3A_48] : memref<640x16xi32, #tpu.memory_space<hbm>> -> memref<40x16xi32, #tpu.memory_space<hbm>>
      tpu.enqueue_dma source(%dma_start3A_49 : memref<40x16xi32, #tpu.memory_space<hbm>>) target(%dma_start3A_47 : memref<40x16xi32, #tpu.memory_space<vmem>>) target_semaphore(%arg8 : memref<!tpu.dma_semaphore, #tpu.memory_space<semaphore_mem>>)
      %mul3A_50 = arith.constant 40 : i32
      %mul3A_51 = arith.muli %add3A, %mul3A_50 : i32
      %dma_start3A_52 = arith.constant 80 : i32
      %dma_start3A_53 = arith.constant 0 : i32
      %dma_start3A_54 = tpu.memref_slice %arg6[%dma_start3A_52, %dma_start3A_53] : memref<200x384xf32, #tpu.memory_space<vmem>> -> memref<40x384xf32, #tpu.memory_space<vmem>>
      %dma_start3A_55 = arith.constant 0 : i32
      %dma_start3A_56 = tpu.memref_slice %arg2[%mul3A_51, %dma_start3A_55] : memref<640x384xf32, #tpu.memory_space<hbm>> -> memref<40x384xf32, #tpu.memory_space<hbm>>
      %dma_start3A_57 = arith.constant 80 : i32
      %dma_start3A_58 = arith.constant 0 : i32
      %dma_start3A_59 = tpu.memref_slice %arg6[%dma_start3A_57, %dma_start3A_58] : memref<200x384xf32, #tpu.memory_space<vmem>> -> memref<40x384xf32, #tpu.memory_space<vmem>>
      %dma_start3A_60 = arith.constant 0 : i32
      %dma_start3A_61 = tpu.memref_slice %arg2[%mul3A_51, %dma_start3A_60] : memref<640x384xf32, #tpu.memory_space<hbm>> -> memref<40x384xf32, #tpu.memory_space<hbm>>
      tpu.enqueue_dma source(%dma_start3A_61 : memref<40x384xf32, #tpu.memory_space<hbm>>) target(%dma_start3A_59 : memref<40x384xf32, #tpu.memory_space<vmem>>) target_semaphore(%arg8 : memref<!tpu.dma_semaphore, #tpu.memory_space<semaphore_mem>>)
      %mul3A_62 = arith.constant 40 : i32
      %mul3A_63 = arith.muli %add3A, %mul3A_62 : i32
      %dma_start3A_64 = arith.constant 80 : i32
      %dma_start3A_65 = arith.constant 0 : i32
      %dma_start3A_66 = tpu.memref_slice %arg7[%dma_start3A_64, %dma_start3A_65] : memref<200x16xi32, #tpu.memory_space<vmem>> -> memref<40x16xi32, #tpu.memory_space<vmem>>
      %dma_start3A_67 = arith.constant 0 : i32
      %dma_start3A_68 = tpu.memref_slice %arg3[%mul3A_63, %dma_start3A_67] : memref<640x16xi32, #tpu.memory_space<hbm>> -> memref<40x16xi32, #tpu.memory_space<hbm>>
      %dma_start3A_69 = arith.constant 80 : i32
      %dma_start3A_70 = arith.constant 0 : i32
      %dma_start3A_71 = tpu.memref_slice %arg7[%dma_start3A_69, %dma_start3A_70] : memref<200x16xi32, #tpu.memory_space<vmem>> -> memref<40x16xi32, #tpu.memory_space<vmem>>
      %dma_start3A_72 = arith.constant 0 : i32
      %dma_start3A_73 = tpu.memref_slice %arg3[%mul3A_63, %dma_start3A_72] : memref<640x16xi32, #tpu.memory_space<hbm>> -> memref<40x16xi32, #tpu.memory_space<hbm>>
      tpu.enqueue_dma source(%dma_start3A_73 : memref<40x16xi32, #tpu.memory_space<hbm>>) target(%dma_start3A_71 : memref<40x16xi32, #tpu.memory_space<vmem>>) target_semaphore(%arg8 : memref<!tpu.dma_semaphore, #tpu.memory_space<semaphore_mem>>)
      %mul3A_74 = arith.constant 40 : i32
      %mul3A_75 = arith.muli %add3A, %mul3A_74 : i32
      %dma_start3A_76 = arith.constant 120 : i32
      %dma_start3A_77 = arith.constant 0 : i32
      %dma_start3A_78 = tpu.memref_slice %arg6[%dma_start3A_76, %dma_start3A_77] : memref<200x384xf32, #tpu.memory_space<vmem>> -> memref<40x384xf32, #tpu.memory_space<vmem>>
      %dma_start3A_79 = arith.constant 0 : i32
      %dma_start3A_80 = tpu.memref_slice %arg2[%mul3A_75, %dma_start3A_79] : memref<640x384xf32, #tpu.memory_space<hbm>> -> memref<40x384xf32, #tpu.memory_space<hbm>>
      %dma_start3A_81 = arith.constant 120 : i32
      %dma_start3A_82 = arith.constant 0 : i32
      %dma_start3A_83 = tpu.memref_slice %arg6[%dma_start3A_81, %dma_start3A_82] : memref<200x384xf32, #tpu.memory_space<vmem>> -> memref<40x384xf32, #tpu.memory_space<vmem>>
      %dma_start3A_84 = arith.constant 0 : i32
      %dma_start3A_85 = tpu.memref_slice %arg2[%mul3A_75, %dma_start3A_84] : memref<640x384xf32, #tpu.memory_space<hbm>> -> memref<40x384xf32, #tpu.memory_space<hbm>>
      tpu.enqueue_dma source(%dma_start3A_85 : memref<40x384xf32, #tpu.memory_space<hbm>>) target(%dma_start3A_83 : memref<40x384xf32, #tpu.memory_space<vmem>>) target_semaphore(%arg8 : memref<!tpu.dma_semaphore, #tpu.memory_space<semaphore_mem>>)
      %mul3A_86 = arith.constant 40 : i32
      %mul3A_87 = arith.muli %add3A, %mul3A_86 : i32
      %dma_start3A_88 = arith.constant 120 : i32
      %dma_start3A_89 = arith.constant 0 : i32
      %dma_start3A_90 = tpu.memref_slice %arg7[%dma_start3A_88, %dma_start3A_89] : memref<200x16xi32, #tpu.memory_space<vmem>> -> memref<40x16xi32, #tpu.memory_space<vmem>>
      %dma_start3A_91 = arith.constant 0 : i32
      %dma_start3A_92 = tpu.memref_slice %arg3[%mul3A_87, %dma_start3A_91] : memref<640x16xi32, #tpu.memory_space<hbm>> -> memref<40x16xi32, #tpu.memory_space<hbm>>
      %dma_start3A_93 = arith.constant 120 : i32
      %dma_start3A_94 = arith.constant 0 : i32
      %dma_start3A_95 = tpu.memref_slice %arg7[%dma_start3A_93, %dma_start3A_94] : memref<200x16xi32, #tpu.memory_space<vmem>> -> memref<40x16xi32, #tpu.memory_space<vmem>>
      %dma_start3A_96 = arith.constant 0 : i32
      %dma_start3A_97 = tpu.memref_slice %arg3[%mul3A_87, %dma_start3A_96] : memref<640x16xi32, #tpu.memory_space<hbm>> -> memref<40x16xi32, #tpu.memory_space<hbm>>
      tpu.enqueue_dma source(%dma_start3A_97 : memref<40x16xi32, #tpu.memory_space<hbm>>) target(%dma_start3A_95 : memref<40x16xi32, #tpu.memory_space<vmem>>) target_semaphore(%arg8 : memref<!tpu.dma_semaphore, #tpu.memory_space<semaphore_mem>>)
      %mul3A_98 = arith.constant 40 : i32
      %mul3A_99 = arith.muli %add3A, %mul3A_98 : i32
      %dma_start3A_100 = arith.constant 160 : i32
      %dma_start3A_101 = arith.constant 0 : i32
      %dma_start3A_102 = tpu.memref_slice %arg6[%dma_start3A_100, %dma_start3A_101] : memref<200x384xf32, #tpu.memory_space<vmem>> -> memref<40x384xf32, #tpu.memory_space<vmem>>
      %dma_start3A_103 = arith.constant 0 : i32
      %dma_start3A_104 = tpu.memref_slice %arg2[%mul3A_99, %dma_start3A_103] : memref<640x384xf32, #tpu.memory_space<hbm>> -> memref<40x384xf32, #tpu.memory_space<hbm>>
      %dma_start3A_105 = arith.constant 160 : i32
      %dma_start3A_106 = arith.constant 0 : i32
      %dma_start3A_107 = tpu.memref_slice %arg6[%dma_start3A_105, %dma_start3A_106] : memref<200x384xf32, #tpu.memory_space<vmem>> -> memref<40x384xf32, #tpu.memory_space<vmem>>
      %dma_start3A_108 = arith.constant 0 : i32
      %dma_start3A_109 = tpu.memref_slice %arg2[%mul3A_99, %dma_start3A_108] : memref<640x384xf32, #tpu.memory_space<hbm>> -> memref<40x384xf32, #tpu.memory_space<hbm>>
      tpu.enqueue_dma source(%dma_start3A_109 : memref<40x384xf32, #tpu.memory_space<hbm>>) target(%dma_start3A_107 : memref<40x384xf32, #tpu.memory_space<vmem>>) target_semaphore(%arg8 : memref<!tpu.dma_semaphore, #tpu.memory_space<semaphore_mem>>)
      %mul3A_110 = arith.constant 40 : i32
      %mul3A_111 = arith.muli %add3A, %mul3A_110 : i32
      %dma_start3A_112 = arith.constant 160 : i32
      %dma_start3A_113 = arith.constant 0 : i32
      %dma_start3A_114 = tpu.memref_slice %arg7[%dma_start3A_112, %dma_start3A_113] : memref<200x16xi32, #tpu.memory_space<vmem>> -> memref<40x16xi32, #tpu.memory_space<vmem>>
      %dma_start3A_115 = arith.constant 0 : i32
      %dma_start3A_116 = tpu.memref_slice %arg3[%mul3A_111, %dma_start3A_115] : memref<640x16xi32, #tpu.memory_space<hbm>> -> memref<40x16xi32, #tpu.memory_space<hbm>>
      %dma_start3A_117 = arith.constant 160 : i32
      %dma_start3A_118 = arith.constant 0 : i32
      %dma_start3A_119 = tpu.memref_slice %arg7[%dma_start3A_117, %dma_start3A_118] : memref<200x16xi32, #tpu.memory_space<vmem>> -> memref<40x16xi32, #tpu.memory_space<vmem>>
      %dma_start3A_120 = arith.constant 0 : i32
      %dma_start3A_121 = tpu.memref_slice %arg3[%mul3A_111, %dma_start3A_120] : memref<640x16xi32, #tpu.memory_space<hbm>> -> memref<40x16xi32, #tpu.memory_space<hbm>>
      tpu.enqueue_dma source(%dma_start3A_121 : memref<40x16xi32, #tpu.memory_space<hbm>>) target(%dma_start3A_119 : memref<40x16xi32, #tpu.memory_space<vmem>>) target_semaphore(%arg8 : memref<!tpu.dma_semaphore, #tpu.memory_space<semaphore_mem>>)
      %dma_wait3A = arith.constant 0 : i32
      %dma_wait3A_122 = arith.constant 0 : i32
      %dma_wait3A_123 = tpu.memref_slice %arg6[%dma_wait3A, %dma_wait3A_122] : memref<200x384xf32, #tpu.memory_space<vmem>> -> memref<40x384xf32, #tpu.memory_space<vmem>>
      %dma_wait3A_124 = arith.constant 0 : i32
      %dma_wait3A_125 = tpu.memref_slice %arg2[%mul3A_4, %dma_wait3A_124] : memref<640x384xf32, #tpu.memory_space<hbm>> -> memref<40x384xf32, #tpu.memory_space<hbm>>
      %dma_wait3A_126 = arith.constant 0 : i32
      %dma_wait3A_127 = arith.constant 0 : i32
      %dma_wait3A_128 = tpu.memref_slice %arg6[%dma_wait3A_126, %dma_wait3A_127] : memref<200x384xf32, #tpu.memory_space<vmem>> -> memref<40x384xf32, #tpu.memory_space<vmem>>
      %dma_wait3A_129 = arith.constant 0 : i32
      %dma_wait3A_130 = tpu.memref_slice %arg2[%mul3A_4, %dma_wait3A_129] : memref<640x384xf32, #tpu.memory_space<hbm>> -> memref<40x384xf32, #tpu.memory_space<hbm>>
      tpu.wait_dma2 semaphore(%arg8 : memref<!tpu.dma_semaphore, #tpu.memory_space<semaphore_mem>>) src(%dma_wait3A_130 : memref<40x384xf32, #tpu.memory_space<hbm>>) dst(%dma_wait3A_128 : memref<40x384xf32, #tpu.memory_space<vmem>>)
      %dma_wait3A_131 = arith.constant 0 : i32
      %dma_wait3A_132 = arith.constant 0 : i32
      %dma_wait3A_133 = tpu.memref_slice %arg7[%dma_wait3A_131, %dma_wait3A_132] : memref<200x16xi32, #tpu.memory_space<vmem>> -> memref<40x16xi32, #tpu.memory_space<vmem>>
      %dma_wait3A_134 = arith.constant 0 : i32
      %dma_wait3A_135 = tpu.memref_slice %arg3[%mul3A_15, %dma_wait3A_134] : memref<640x16xi32, #tpu.memory_space<hbm>> -> memref<40x16xi32, #tpu.memory_space<hbm>>
      %dma_wait3A_136 = arith.constant 0 : i32
      %dma_wait3A_137 = arith.constant 0 : i32
      %dma_wait3A_138 = tpu.memref_slice %arg7[%dma_wait3A_136, %dma_wait3A_137] : memref<200x16xi32, #tpu.memory_space<vmem>> -> memref<40x16xi32, #tpu.memory_space<vmem>>
      %dma_wait3A_139 = arith.constant 0 : i32
      %dma_wait3A_140 = tpu.memref_slice %arg3[%mul3A_15, %dma_wait3A_139] : memref<640x16xi32, #tpu.memory_space<hbm>> -> memref<40x16xi32, #tpu.memory_space<hbm>>
      tpu.wait_dma2 semaphore(%arg8 : memref<!tpu.dma_semaphore, #tpu.memory_space<semaphore_mem>>) src(%dma_wait3A_140 : memref<40x16xi32, #tpu.memory_space<hbm>>) dst(%dma_wait3A_138 : memref<40x16xi32, #tpu.memory_space<vmem>>)
      %dma_wait3A_141 = arith.constant 40 : i32
      %dma_wait3A_142 = arith.constant 0 : i32
      %dma_wait3A_143 = tpu.memref_slice %arg6[%dma_wait3A_141, %dma_wait3A_142] : memref<200x384xf32, #tpu.memory_space<vmem>> -> memref<40x384xf32, #tpu.memory_space<vmem>>
      %dma_wait3A_144 = arith.constant 0 : i32
      %dma_wait3A_145 = tpu.memref_slice %arg2[%mul3A_27, %dma_wait3A_144] : memref<640x384xf32, #tpu.memory_space<hbm>> -> memref<40x384xf32, #tpu.memory_space<hbm>>
      %dma_wait3A_146 = arith.constant 40 : i32
      %dma_wait3A_147 = arith.constant 0 : i32
      %dma_wait3A_148 = tpu.memref_slice %arg6[%dma_wait3A_146, %dma_wait3A_147] : memref<200x384xf32, #tpu.memory_space<vmem>> -> memref<40x384xf32, #tpu.memory_space<vmem>>
      %dma_wait3A_149 = arith.constant 0 : i32
      %dma_wait3A_150 = tpu.memref_slice %arg2[%mul3A_27, %dma_wait3A_149] : memref<640x384xf32, #tpu.memory_space<hbm>> -> memref<40x384xf32, #tpu.memory_space<hbm>>
      tpu.wait_dma2 semaphore(%arg8 : memref<!tpu.dma_semaphore, #tpu.memory_space<semaphore_mem>>) src(%dma_wait3A_150 : memref<40x384xf32, #tpu.memory_space<hbm>>) dst(%dma_wait3A_148 : memref<40x384xf32, #tpu.memory_space<vmem>>)
      %dma_wait3A_151 = arith.constant 40 : i32
      %dma_wait3A_152 = arith.constant 0 : i32
      %dma_wait3A_153 = tpu.memref_slice %arg7[%dma_wait3A_151, %dma_wait3A_152] : memref<200x16xi32, #tpu.memory_space<vmem>> -> memref<40x16xi32, #tpu.memory_space<vmem>>
      %dma_wait3A_154 = arith.constant 0 : i32
      %dma_wait3A_155 = tpu.memref_slice %arg3[%mul3A_39, %dma_wait3A_154] : memref<640x16xi32, #tpu.memory_space<hbm>> -> memref<40x16xi32, #tpu.memory_space<hbm>>
      %dma_wait3A_156 = arith.constant 40 : i32
      %dma_wait3A_157 = arith.constant 0 : i32
      %dma_wait3A_158 = tpu.memref_slice %arg7[%dma_wait3A_156, %dma_wait3A_157] : memref<200x16xi32, #tpu.memory_space<vmem>> -> memref<40x16xi32, #tpu.memory_space<vmem>>
      %dma_wait3A_159 = arith.constant 0 : i32
      %dma_wait3A_160 = tpu.memref_slice %arg3[%mul3A_39, %dma_wait3A_159] : memref<640x16xi32, #tpu.memory_space<hbm>> -> memref<40x16xi32, #tpu.memory_space<hbm>>
      tpu.wait_dma2 semaphore(%arg8 : memref<!tpu.dma_semaphore, #tpu.memory_space<semaphore_mem>>) src(%dma_wait3A_160 : memref<40x16xi32, #tpu.memory_space<hbm>>) dst(%dma_wait3A_158 : memref<40x16xi32, #tpu.memory_space<vmem>>)
      %dma_wait3A_161 = arith.constant 80 : i32
      %dma_wait3A_162 = arith.constant 0 : i32
      %dma_wait3A_163 = tpu.memref_slice %arg6[%dma_wait3A_161, %dma_wait3A_162] : memref<200x384xf32, #tpu.memory_space<vmem>> -> memref<40x384xf32, #tpu.memory_space<vmem>>
      %dma_wait3A_164 = arith.constant 0 : i32
      %dma_wait3A_165 = tpu.memref_slice %arg2[%mul3A_51, %dma_wait3A_164] : memref<640x384xf32, #tpu.memory_space<hbm>> -> memref<40x384xf32, #tpu.memory_space<hbm>>
      %dma_wait3A_166 = arith.constant 80 : i32
      %dma_wait3A_167 = arith.constant 0 : i32
      %dma_wait3A_168 = tpu.memref_slice %arg6[%dma_wait3A_166, %dma_wait3A_167] : memref<200x384xf32, #tpu.memory_space<vmem>> -> memref<40x384xf32, #tpu.memory_space<vmem>>
      %dma_wait3A_169 = arith.constant 0 : i32
      %dma_wait3A_170 = tpu.memref_slice %arg2[%mul3A_51, %dma_wait3A_169] : memref<640x384xf32, #tpu.memory_space<hbm>> -> memref<40x384xf32, #tpu.memory_space<hbm>>
      tpu.wait_dma2 semaphore(%arg8 : memref<!tpu.dma_semaphore, #tpu.memory_space<semaphore_mem>>) src(%dma_wait3A_170 : memref<40x384xf32, #tpu.memory_space<hbm>>) dst(%dma_wait3A_168 : memref<40x384xf32, #tpu.memory_space<vmem>>)
      %dma_wait3A_171 = arith.constant 80 : i32
      %dma_wait3A_172 = arith.constant 0 : i32
      %dma_wait3A_173 = tpu.memref_slice %arg7[%dma_wait3A_171, %dma_wait3A_172] : memref<200x16xi32, #tpu.memory_space<vmem>> -> memref<40x16xi32, #tpu.memory_space<vmem>>
      %dma_wait3A_174 = arith.constant 0 : i32
      %dma_wait3A_175 = tpu.memref_slice %arg3[%mul3A_63, %dma_wait3A_174] : memref<640x16xi32, #tpu.memory_space<hbm>> -> memref<40x16xi32, #tpu.memory_space<hbm>>
      %dma_wait3A_176 = arith.constant 80 : i32
      %dma_wait3A_177 = arith.constant 0 : i32
      %dma_wait3A_178 = tpu.memref_slice %arg7[%dma_wait3A_176, %dma_wait3A_177] : memref<200x16xi32, #tpu.memory_space<vmem>> -> memref<40x16xi32, #tpu.memory_space<vmem>>
      %dma_wait3A_179 = arith.constant 0 : i32
      %dma_wait3A_180 = tpu.memref_slice %arg3[%mul3A_63, %dma_wait3A_179] : memref<640x16xi32, #tpu.memory_space<hbm>> -> memref<40x16xi32, #tpu.memory_space<hbm>>
      tpu.wait_dma2 semaphore(%arg8 : memref<!tpu.dma_semaphore, #tpu.memory_space<semaphore_mem>>) src(%dma_wait3A_180 : memref<40x16xi32, #tpu.memory_space<hbm>>) dst(%dma_wait3A_178 : memref<40x16xi32, #tpu.memory_space<vmem>>)
      %dma_wait3A_181 = arith.constant 120 : i32
      %dma_wait3A_182 = arith.constant 0 : i32
      %dma_wait3A_183 = tpu.memref_slice %arg6[%dma_wait3A_181, %dma_wait3A_182] : memref<200x384xf32, #tpu.memory_space<vmem>> -> memref<40x384xf32, #tpu.memory_space<vmem>>
      %dma_wait3A_184 = arith.constant 0 : i32
      %dma_wait3A_185 = tpu.memref_slice %arg2[%mul3A_75, %dma_wait3A_184] : memref<640x384xf32, #tpu.memory_space<hbm>> -> memref<40x384xf32, #tpu.memory_space<hbm>>
      %dma_wait3A_186 = arith.constant 120 : i32
      %dma_wait3A_187 = arith.constant 0 : i32
      %dma_wait3A_188 = tpu.memref_slice %arg6[%dma_wait3A_186, %dma_wait3A_187] : memref<200x384xf32, #tpu.memory_space<vmem>> -> memref<40x384xf32, #tpu.memory_space<vmem>>
      %dma_wait3A_189 = arith.constant 0 : i32
      %dma_wait3A_190 = tpu.memref_slice %arg2[%mul3A_75, %dma_wait3A_189] : memref<640x384xf32, #tpu.memory_space<hbm>> -> memref<40x384xf32, #tpu.memory_space<hbm>>
      tpu.wait_dma2 semaphore(%arg8 : memref<!tpu.dma_semaphore, #tpu.memory_space<semaphore_mem>>) src(%dma_wait3A_190 : memref<40x384xf32, #tpu.memory_space<hbm>>) dst(%dma_wait3A_188 : memref<40x384xf32, #tpu.memory_space<vmem>>)
      %dma_wait3A_191 = arith.constant 120 : i32
      %dma_wait3A_192 = arith.constant 0 : i32
      %dma_wait3A_193 = tpu.memref_slice %arg7[%dma_wait3A_191, %dma_wait3A_192] : memref<200x16xi32, #tpu.memory_space<vmem>> -> memref<40x16xi32, #tpu.memory_space<vmem>>
      %dma_wait3A_194 = arith.constant 0 : i32
      %dma_wait3A_195 = tpu.memref_slice %arg3[%mul3A_87, %dma_wait3A_194] : memref<640x16xi32, #tpu.memory_space<hbm>> -> memref<40x16xi32, #tpu.memory_space<hbm>>
      %dma_wait3A_196 = arith.constant 120 : i32
      %dma_wait3A_197 = arith.constant 0 : i32
      %dma_wait3A_198 = tpu.memref_slice %arg7[%dma_wait3A_196, %dma_wait3A_197] : memref<200x16xi32, #tpu.memory_space<vmem>> -> memref<40x16xi32, #tpu.memory_space<vmem>>
      %dma_wait3A_199 = arith.constant 0 : i32
      %dma_wait3A_200 = tpu.memref_slice %arg3[%mul3A_87, %dma_wait3A_199] : memref<640x16xi32, #tpu.memory_space<hbm>> -> memref<40x16xi32, #tpu.memory_space<hbm>>
      tpu.wait_dma2 semaphore(%arg8 : memref<!tpu.dma_semaphore, #tpu.memory_space<semaphore_mem>>) src(%dma_wait3A_200 : memref<40x16xi32, #tpu.memory_space<hbm>>) dst(%dma_wait3A_198 : memref<40x16xi32, #tpu.memory_space<vmem>>)
      %dma_wait3A_201 = arith.constant 160 : i32
      %dma_wait3A_202 = arith.constant 0 : i32
      %dma_wait3A_203 = tpu.memref_slice %arg6[%dma_wait3A_201, %dma_wait3A_202] : memref<200x384xf32, #tpu.memory_space<vmem>> -> memref<40x384xf32, #tpu.memory_space<vmem>>
      %dma_wait3A_204 = arith.constant 0 : i32
      %dma_wait3A_205 = tpu.memref_slice %arg2[%mul3A_99, %dma_wait3A_204] : memref<640x384xf32, #tpu.memory_space<hbm>> -> memref<40x384xf32, #tpu.memory_space<hbm>>
      %dma_wait3A_206 = arith.constant 160 : i32
      %dma_wait3A_207 = arith.constant 0 : i32
      %dma_wait3A_208 = tpu.memref_slice %arg6[%dma_wait3A_206, %dma_wait3A_207] : memref<200x384xf32, #tpu.memory_space<vmem>> -> memref<40x384xf32, #tpu.memory_space<vmem>>
      %dma_wait3A_209 = arith.constant 0 : i32
      %dma_wait3A_210 = tpu.memref_slice %arg2[%mul3A_99, %dma_wait3A_209] : memref<640x384xf32, #tpu.memory_space<hbm>> -> memref<40x384xf32, #tpu.memory_space<hbm>>
      tpu.wait_dma2 semaphore(%arg8 : memref<!tpu.dma_semaphore, #tpu.memory_space<semaphore_mem>>) src(%dma_wait3A_210 : memref<40x384xf32, #tpu.memory_space<hbm>>) dst(%dma_wait3A_208 : memref<40x384xf32, #tpu.memory_space<vmem>>)
      %dma_wait3A_211 = arith.constant 160 : i32
      %dma_wait3A_212 = arith.constant 0 : i32
      %dma_wait3A_213 = tpu.memref_slice %arg7[%dma_wait3A_211, %dma_wait3A_212] : memref<200x16xi32, #tpu.memory_space<vmem>> -> memref<40x16xi32, #tpu.memory_space<vmem>>
      %dma_wait3A_214 = arith.constant 0 : i32
      %dma_wait3A_215 = tpu.memref_slice %arg3[%mul3A_111, %dma_wait3A_214] : memref<640x16xi32, #tpu.memory_space<hbm>> -> memref<40x16xi32, #tpu.memory_space<hbm>>
      %dma_wait3A_216 = arith.constant 160 : i32
      %dma_wait3A_217 = arith.constant 0 : i32
      %dma_wait3A_218 = tpu.memref_slice %arg7[%dma_wait3A_216, %dma_wait3A_217] : memref<200x16xi32, #tpu.memory_space<vmem>> -> memref<40x16xi32, #tpu.memory_space<vmem>>
      %dma_wait3A_219 = arith.constant 0 : i32
      %dma_wait3A_220 = tpu.memref_slice %arg3[%mul3A_111, %dma_wait3A_219] : memref<640x16xi32, #tpu.memory_space<hbm>> -> memref<40x16xi32, #tpu.memory_space<hbm>>
      tpu.wait_dma2 semaphore(%arg8 : memref<!tpu.dma_semaphore, #tpu.memory_space<semaphore_mem>>) src(%dma_wait3A_220 : memref<40x16xi32, #tpu.memory_space<hbm>>) dst(%dma_wait3A_218 : memref<40x16xi32, #tpu.memory_space<vmem>>)
      %mul3A_221 = arith.constant 1000 : i32
      %mul3A_222 = arith.muli %add3A, %mul3A_221 : i32
      %add3A_223 = arith.constant 0 : i32
      %add3A_224 = arith.addi %mul3A_222, %add3A_223 : i32
      %dma_start3A_225 = arith.constant 0 : i32
      %dma_start3A_226 = tpu.memref_slice %arg4[%add3A_224, %dma_start3A_225] : memref<16000x384xf32, #tpu.memory_space<hbm>> -> memref<200x384xf32, #tpu.memory_space<hbm>>
      %dma_start3A_227 = arith.constant 0 : i32
      %dma_start3A_228 = tpu.memref_slice %arg4[%add3A_224, %dma_start3A_227] : memref<16000x384xf32, #tpu.memory_space<hbm>> -> memref<200x384xf32, #tpu.memory_space<hbm>>
      tpu.enqueue_dma source(%arg6 : memref<200x384xf32, #tpu.memory_space<vmem>>) target(%dma_start3A_228 : memref<200x384xf32, #tpu.memory_space<hbm>>) target_semaphore(%arg8 : memref<!tpu.dma_semaphore, #tpu.memory_space<semaphore_mem>>)
      %dma_start3A_229 = arith.constant 0 : i32
      %dma_start3A_230 = tpu.memref_slice %arg5[%add3A_224, %dma_start3A_229] : memref<16000x16xi32, #tpu.memory_space<hbm>> -> memref<200x16xi32, #tpu.memory_space<hbm>>
      %dma_start3A_231 = arith.constant 0 : i32
      %dma_start3A_232 = tpu.memref_slice %arg5[%add3A_224, %dma_start3A_231] : memref<16000x16xi32, #tpu.memory_space<hbm>> -> memref<200x16xi32, #tpu.memory_space<hbm>>
      tpu.enqueue_dma source(%arg7 : memref<200x16xi32, #tpu.memory_space<vmem>>) target(%dma_start3A_232 : memref<200x16xi32, #tpu.memory_space<hbm>>) target_semaphore(%arg8 : memref<!tpu.dma_semaphore, #tpu.memory_space<semaphore_mem>>)
      %mul3A_233 = arith.constant 1000 : i32
      %mul3A_234 = arith.muli %add3A, %mul3A_233 : i32
      %add3A_235 = arith.constant 200 : i32
      %add3A_236 = arith.addi %mul3A_234, %add3A_235 : i32
      %dma_start3A_237 = arith.constant 0 : i32
      %dma_start3A_238 = tpu.memref_slice %arg4[%add3A_236, %dma_start3A_237] : memref<16000x384xf32, #tpu.memory_space<hbm>> -> memref<200x384xf32, #tpu.memory_space<hbm>>
      %dma_start3A_239 = arith.constant 0 : i32
      %dma_start3A_240 = tpu.memref_slice %arg4[%add3A_236, %dma_start3A_239] : memref<16000x384xf32, #tpu.memory_space<hbm>> -> memref<200x384xf32, #tpu.memory_space<hbm>>
      tpu.enqueue_dma source(%arg6 : memref<200x384xf32, #tpu.memory_space<vmem>>) target(%dma_start3A_240 : memref<200x384xf32, #tpu.memory_space<hbm>>) target_semaphore(%arg8 : memref<!tpu.dma_semaphore, #tpu.memory_space<semaphore_mem>>)
      %dma_start3A_241 = arith.constant 0 : i32
      %dma_start3A_242 = tpu.memref_slice %arg5[%add3A_236, %dma_start3A_241] : memref<16000x16xi32, #tpu.memory_space<hbm>> -> memref<200x16xi32, #tpu.memory_space<hbm>>
      %dma_start3A_243 = arith.constant 0 : i32
      %dma_start3A_244 = tpu.memref_slice %arg5[%add3A_236, %dma_start3A_243] : memref<16000x16xi32, #tpu.memory_space<hbm>> -> memref<200x16xi32, #tpu.memory_space<hbm>>
      tpu.enqueue_dma source(%arg7 : memref<200x16xi32, #tpu.memory_space<vmem>>) target(%dma_start3A_244 : memref<200x16xi32, #tpu.memory_space<hbm>>) target_semaphore(%arg8 : memref<!tpu.dma_semaphore, #tpu.memory_space<semaphore_mem>>)
      %mul3A_245 = arith.constant 1000 : i32
      %mul3A_246 = arith.muli %add3A, %mul3A_245 : i32
      %add3A_247 = arith.constant 400 : i32
      %add3A_248 = arith.addi %mul3A_246, %add3A_247 : i32
      %dma_start3A_249 = arith.constant 0 : i32
      %dma_start3A_250 = tpu.memref_slice %arg4[%add3A_248, %dma_start3A_249] : memref<16000x384xf32, #tpu.memory_space<hbm>> -> memref<200x384xf32, #tpu.memory_space<hbm>>
      %dma_start3A_251 = arith.constant 0 : i32
      %dma_start3A_252 = tpu.memref_slice %arg4[%add3A_248, %dma_start3A_251] : memref<16000x384xf32, #tpu.memory_space<hbm>> -> memref<200x384xf32, #tpu.memory_space<hbm>>
      tpu.enqueue_dma source(%arg6 : memref<200x384xf32, #tpu.memory_space<vmem>>) target(%dma_start3A_252 : memref<200x384xf32, #tpu.memory_space<hbm>>) target_semaphore(%arg8 : memref<!tpu.dma_semaphore, #tpu.memory_space<semaphore_mem>>)
      %dma_start3A_253 = arith.constant 0 : i32
      %dma_start3A_254 = tpu.memref_slice %arg5[%add3A_248, %dma_start3A_253] : memref<16000x16xi32, #tpu.memory_space<hbm>> -> memref<200x16xi32, #tpu.memory_space<hbm>>
      %dma_start3A_255 = arith.constant 0 : i32
      %dma_start3A_256 = tpu.memref_slice %arg5[%add3A_248, %dma_start3A_255] : memref<16000x16xi32, #tpu.memory_space<hbm>> -> memref<200x16xi32, #tpu.memory_space<hbm>>
      tpu.enqueue_dma source(%arg7 : memref<200x16xi32, #tpu.memory_space<vmem>>) target(%dma_start3A_256 : memref<200x16xi32, #tpu.memory_space<hbm>>) target_semaphore(%arg8 : memref<!tpu.dma_semaphore, #tpu.memory_space<semaphore_mem>>)
      %mul3A_257 = arith.constant 1000 : i32
      %mul3A_258 = arith.muli %add3A, %mul3A_257 : i32
      %add3A_259 = arith.constant 600 : i32
      %add3A_260 = arith.addi %mul3A_258, %add3A_259 : i32
      %dma_start3A_261 = arith.constant 0 : i32
      %dma_start3A_262 = tpu.memref_slice %arg4[%add3A_260, %dma_start3A_261] : memref<16000x384xf32, #tpu.memory_space<hbm>> -> memref<200x384xf32, #tpu.memory_space<hbm>>
      %dma_start3A_263 = arith.constant 0 : i32
      %dma_start3A_264 = tpu.memref_slice %arg4[%add3A_260, %dma_start3A_263] : memref<16000x384xf32, #tpu.memory_space<hbm>> -> memref<200x384xf32, #tpu.memory_space<hbm>>
      tpu.enqueue_dma source(%arg6 : memref<200x384xf32, #tpu.memory_space<vmem>>) target(%dma_start3A_264 : memref<200x384xf32, #tpu.memory_space<hbm>>) target_semaphore(%arg8 : memref<!tpu.dma_semaphore, #tpu.memory_space<semaphore_mem>>)
      %dma_start3A_265 = arith.constant 0 : i32
      %dma_start3A_266 = tpu.memref_slice %arg5[%add3A_260, %dma_start3A_265] : memref<16000x16xi32, #tpu.memory_space<hbm>> -> memref<200x16xi32, #tpu.memory_space<hbm>>
      %dma_start3A_267 = arith.constant 0 : i32
      %dma_start3A_268 = tpu.memref_slice %arg5[%add3A_260, %dma_start3A_267] : memref<16000x16xi32, #tpu.memory_space<hbm>> -> memref<200x16xi32, #tpu.memory_space<hbm>>
      tpu.enqueue_dma source(%arg7 : memref<200x16xi32, #tpu.memory_space<vmem>>) target(%dma_start3A_268 : memref<200x16xi32, #tpu.memory_space<hbm>>) target_semaphore(%arg8 : memref<!tpu.dma_semaphore, #tpu.memory_space<semaphore_mem>>)
      %mul3A_269 = arith.constant 1000 : i32
      %mul3A_270 = arith.muli %add3A, %mul3A_269 : i32
      %add3A_271 = arith.constant 800 : i32
      %add3A_272 = arith.addi %mul3A_270, %add3A_271 : i32
      %dma_start3A_273 = arith.constant 0 : i32
      %dma_start3A_274 = tpu.memref_slice %arg4[%add3A_272, %dma_start3A_273] : memref<16000x384xf32, #tpu.memory_space<hbm>> -> memref<200x384xf32, #tpu.memory_space<hbm>>
      %dma_start3A_275 = arith.constant 0 : i32
      %dma_start3A_276 = tpu.memref_slice %arg4[%add3A_272, %dma_start3A_275] : memref<16000x384xf32, #tpu.memory_space<hbm>> -> memref<200x384xf32, #tpu.memory_space<hbm>>
      tpu.enqueue_dma source(%arg6 : memref<200x384xf32, #tpu.memory_space<vmem>>) target(%dma_start3A_276 : memref<200x384xf32, #tpu.memory_space<hbm>>) target_semaphore(%arg8 : memref<!tpu.dma_semaphore, #tpu.memory_space<semaphore_mem>>)
      %dma_start3A_277 = arith.constant 0 : i32
      %dma_start3A_278 = tpu.memref_slice %arg5[%add3A_272, %dma_start3A_277] : memref<16000x16xi32, #tpu.memory_space<hbm>> -> memref<200x16xi32, #tpu.memory_space<hbm>>
      %dma_start3A_279 = arith.constant 0 : i32
      %dma_start3A_280 = tpu.memref_slice %arg5[%add3A_272, %dma_start3A_279] : memref<16000x16xi32, #tpu.memory_space<hbm>> -> memref<200x16xi32, #tpu.memory_space<hbm>>
      tpu.enqueue_dma source(%arg7 : memref<200x16xi32, #tpu.memory_space<vmem>>) target(%dma_start3A_280 : memref<200x16xi32, #tpu.memory_space<hbm>>) target_semaphore(%arg8 : memref<!tpu.dma_semaphore, #tpu.memory_space<semaphore_mem>>)
      %dma_wait3A_281 = arith.constant 0 : i32
      %dma_wait3A_282 = tpu.memref_slice %arg4[%add3A_224, %dma_wait3A_281] : memref<16000x384xf32, #tpu.memory_space<hbm>> -> memref<200x384xf32, #tpu.memory_space<hbm>>
      %dma_wait3A_283 = arith.constant 0 : i32
      %dma_wait3A_284 = tpu.memref_slice %arg4[%add3A_224, %dma_wait3A_283] : memref<16000x384xf32, #tpu.memory_space<hbm>> -> memref<200x384xf32, #tpu.memory_space<hbm>>
      tpu.wait_dma2 semaphore(%arg8 : memref<!tpu.dma_semaphore, #tpu.memory_space<semaphore_mem>>) src(%arg6 : memref<200x384xf32, #tpu.memory_space<vmem>>) dst(%dma_wait3A_284 : memref<200x384xf32, #tpu.memory_space<hbm>>)
      %dma_wait3A_285 = arith.constant 0 : i32
      %dma_wait3A_286 = tpu.memref_slice %arg5[%add3A_224, %dma_wait3A_285] : memref<16000x16xi32, #tpu.memory_space<hbm>> -> memref<200x16xi32, #tpu.memory_space<hbm>>
      %dma_wait3A_287 = arith.constant 0 : i32
      %dma_wait3A_288 = tpu.memref_slice %arg5[%add3A_224, %dma_wait3A_287] : memref<16000x16xi32, #tpu.memory_space<hbm>> -> memref<200x16xi32, #tpu.memory_space<hbm>>
      tpu.wait_dma2 semaphore(%arg8 : memref<!tpu.dma_semaphore, #tpu.memory_space<semaphore_mem>>) src(%arg7 : memref<200x16xi32, #tpu.memory_space<vmem>>) dst(%dma_wait3A_288 : memref<200x16xi32, #tpu.memory_space<hbm>>)
      %dma_wait3A_289 = arith.constant 0 : i32
      %dma_wait3A_290 = tpu.memref_slice %arg4[%add3A_236, %dma_wait3A_289] : memref<16000x384xf32, #tpu.memory_space<hbm>> -> memref<200x384xf32, #tpu.memory_space<hbm>>
      %dma_wait3A_291 = arith.constant 0 : i32
      %dma_wait3A_292 = tpu.memref_slice %arg4[%add3A_236, %dma_wait3A_291] : memref<16000x384xf32, #tpu.memory_space<hbm>> -> memref<200x384xf32, #tpu.memory_space<hbm>>
      tpu.wait_dma2 semaphore(%arg8 : memref<!tpu.dma_semaphore, #tpu.memory_space<semaphore_mem>>) src(%arg6 : memref<200x384xf32, #tpu.memory_space<vmem>>) dst(%dma_wait3A_292 : memref<200x384xf32, #tpu.memory_space<hbm>>)
      %dma_wait3A_293 = arith.constant 0 : i32
      %dma_wait3A_294 = tpu.memref_slice %arg5[%add3A_236, %dma_wait3A_293] : memref<16000x16xi32, #tpu.memory_space<hbm>> -> memref<200x16xi32, #tpu.memory_space<hbm>>
      %dma_wait3A_295 = arith.constant 0 : i32
      %dma_wait3A_296 = tpu.memref_slice %arg5[%add3A_236, %dma_wait3A_295] : memref<16000x16xi32, #tpu.memory_space<hbm>> -> memref<200x16xi32, #tpu.memory_space<hbm>>
      tpu.wait_dma2 semaphore(%arg8 : memref<!tpu.dma_semaphore, #tpu.memory_space<semaphore_mem>>) src(%arg7 : memref<200x16xi32, #tpu.memory_space<vmem>>) dst(%dma_wait3A_296 : memref<200x16xi32, #tpu.memory_space<hbm>>)
      %dma_wait3A_297 = arith.constant 0 : i32
      %dma_wait3A_298 = tpu.memref_slice %arg4[%add3A_248, %dma_wait3A_297] : memref<16000x384xf32, #tpu.memory_space<hbm>> -> memref<200x384xf32, #tpu.memory_space<hbm>>
      %dma_wait3A_299 = arith.constant 0 : i32
      %dma_wait3A_300 = tpu.memref_slice %arg4[%add3A_248, %dma_wait3A_299] : memref<16000x384xf32, #tpu.memory_space<hbm>> -> memref<200x384xf32, #tpu.memory_space<hbm>>
      tpu.wait_dma2 semaphore(%arg8 : memref<!tpu.dma_semaphore, #tpu.memory_space<semaphore_mem>>) src(%arg6 : memref<200x384xf32, #tpu.memory_space<vmem>>) dst(%dma_wait3A_300 : memref<200x384xf32, #tpu.memory_space<hbm>>)
      %dma_wait3A_301 = arith.constant 0 : i32
      %dma_wait3A_302 = tpu.memref_slice %arg5[%add3A_248, %dma_wait3A_301] : memref<16000x16xi32, #tpu.memory_space<hbm>> -> memref<200x16xi32, #tpu.memory_space<hbm>>
      %dma_wait3A_303 = arith.constant 0 : i32
      %dma_wait3A_304 = tpu.memref_slice %arg5[%add3A_248, %dma_wait3A_303] : memref<16000x16xi32, #tpu.memory_space<hbm>> -> memref<200x16xi32, #tpu.memory_space<hbm>>
      tpu.wait_dma2 semaphore(%arg8 : memref<!tpu.dma_semaphore, #tpu.memory_space<semaphore_mem>>) src(%arg7 : memref<200x16xi32, #tpu.memory_space<vmem>>) dst(%dma_wait3A_304 : memref<200x16xi32, #tpu.memory_space<hbm>>)
      %dma_wait3A_305 = arith.constant 0 : i32
      %dma_wait3A_306 = tpu.memref_slice %arg4[%add3A_260, %dma_wait3A_305] : memref<16000x384xf32, #tpu.memory_space<hbm>> -> memref<200x384xf32, #tpu.memory_space<hbm>>
      %dma_wait3A_307 = arith.constant 0 : i32
      %dma_wait3A_308 = tpu.memref_slice %arg4[%add3A_260, %dma_wait3A_307] : memref<16000x384xf32, #tpu.memory_space<hbm>> -> memref<200x384xf32, #tpu.memory_space<hbm>>
      tpu.wait_dma2 semaphore(%arg8 : memref<!tpu.dma_semaphore, #tpu.memory_space<semaphore_mem>>) src(%arg6 : memref<200x384xf32, #tpu.memory_space<vmem>>) dst(%dma_wait3A_308 : memref<200x384xf32, #tpu.memory_space<hbm>>)
      %dma_wait3A_309 = arith.constant 0 : i32
      %dma_wait3A_310 = tpu.memref_slice %arg5[%add3A_260, %dma_wait3A_309] : memref<16000x16xi32, #tpu.memory_space<hbm>> -> memref<200x16xi32, #tpu.memory_space<hbm>>
      %dma_wait3A_311 = arith.constant 0 : i32
      %dma_wait3A_312 = tpu.memref_slice %arg5[%add3A_260, %dma_wait3A_311] : memref<16000x16xi32, #tpu.memory_space<hbm>> -> memref<200x16xi32, #tpu.memory_space<hbm>>
      tpu.wait_dma2 semaphore(%arg8 : memref<!tpu.dma_semaphore, #tpu.memory_space<semaphore_mem>>) src(%arg7 : memref<200x16xi32, #tpu.memory_space<vmem>>) dst(%dma_wait3A_312 : memref<200x16xi32, #tpu.memory_space<hbm>>)
      %dma_wait3A_313 = arith.constant 0 : i32
      %dma_wait3A_314 = tpu.memref_slice %arg4[%add3A_272, %dma_wait3A_313] : memref<16000x384xf32, #tpu.memory_space<hbm>> -> memref<200x384xf32, #tpu.memory_space<hbm>>
      %dma_wait3A_315 = arith.constant 0 : i32
      %dma_wait3A_316 = tpu.memref_slice %arg4[%add3A_272, %dma_wait3A_315] : memref<16000x384xf32, #tpu.memory_space<hbm>> -> memref<200x384xf32, #tpu.memory_space<hbm>>
      tpu.wait_dma2 semaphore(%arg8 : memref<!tpu.dma_semaphore, #tpu.memory_space<semaphore_mem>>) src(%arg6 : memref<200x384xf32, #tpu.memory_space<vmem>>) dst(%dma_wait3A_316 : memref<200x384xf32, #tpu.memory_space<hbm>>)
      %dma_wait3A_317 = arith.constant 0 : i32
      %dma_wait3A_318 = tpu.memref_slice %arg5[%add3A_272, %dma_wait3A_317] : memref<16000x16xi32, #tpu.memory_space<hbm>> -> memref<200x16xi32, #tpu.memory_space<hbm>>
      %dma_wait3A_319 = arith.constant 0 : i32
      %dma_wait3A_320 = tpu.memref_slice %arg5[%add3A_272, %dma_wait3A_319] : memref<16000x16xi32, #tpu.memory_space<hbm>> -> memref<200x16xi32, #tpu.memory_space<hbm>>
      tpu.wait_dma2 semaphore(%arg8 : memref<!tpu.dma_semaphore, #tpu.memory_space<semaphore_mem>>) src(%arg7 : memref<200x16xi32, #tpu.memory_space<vmem>>) dst(%dma_wait3A_320 : memref<200x16xi32, #tpu.memory_space<hbm>>)
    } else {
    }
    return
  }
}

module attributes {stable_mosaic.version = 14 : i64} {
  func.func @_attn_body(%arg0: memref<16x128xf32, #tpu.memory_space<vmem>>, %arg1: memref<16x256x128xf32, #tpu.memory_space<vmem>>, %arg2: memref<16x16xi32, #tpu.memory_space<vmem>>, %arg3: memref<16x128xf32, #tpu.memory_space<vmem>>, %arg4: memref<128x256xf32, #tpu.memory_space<vmem>>, %arg5: memref<1x256xf32, #tpu.memory_space<vmem>>, %arg6: memref<128x256xf32, #tpu.memory_space<vmem>>, %arg7: memref<1x256xf32, #tpu.memory_space<vmem>>, %arg8: memref<128x256xf32, #tpu.memory_space<vmem>>, %arg9: memref<1x256xf32, #tpu.memory_space<vmem>>, %arg10: memref<256x256xf32, #tpu.memory_space<vmem>>, %arg11: memref<1x256xf32, #tpu.memory_space<vmem>>, %arg12: memref<256x256xf32, #tpu.memory_space<vmem>>, %arg13: memref<1x256xf32, #tpu.memory_space<vmem>>, %arg14: memref<256x256xf32, #tpu.memory_space<vmem>>, %arg15: memref<1x256xf32, #tpu.memory_space<vmem>>, %arg16: memref<256x256xf32, #tpu.memory_space<vmem>>, %arg17: memref<1x256xf32, #tpu.memory_space<vmem>>, %arg18: memref<16x40x384xf32, #tpu.memory_space<vmem>>) attributes {dimension_semantics = [], scalar_prefetch = 0 : i64, scratch_operands = 0 : i64, tpu.core_type = #tpu.core_type<tc>} {
    %get3A = arith.constant 0 : index
    %get3A_0 = arith.constant 0 : index
    %get3A_1 = vector.load %arg0[%get3A, %get3A_0] : memref<16x128xf32, #tpu.memory_space<vmem>>, vector<16x128xf32>
    %get3A_2 = arith.constant 0 : index
    %get3A_3 = arith.constant 0 : index
    %get3A_4 = vector.load %arg2[%get3A_2, %get3A_3] : memref<16x16xi32, #tpu.memory_space<vmem>>, vector<16x16xi32>
    %lt3A = arith.constant 256 : i32
    %lt3A_5 = vector.broadcast %lt3A : i32 to vector<16x16xi32>
    %lt3A_6 = arith.cmpi slt, %get3A_4, %lt3A_5 : vector<16x16xi32>
    %iota3A = tpu.iota {dimensions = array<i32: 2>} : vector<16x16x256xi32>
    %broadcast_in_dim3A = vector.shape_cast %get3A_4 : vector<16x16xi32> to vector<16x16x1xi32>
    %eq3A = vector.broadcast %broadcast_in_dim3A : vector<16x16x1xi32> to vector<16x16x256xi32>
    %eq3A_7 = arith.cmpi eq, %eq3A, %iota3A : vector<16x16x256xi32>
    %lt3A_8 = arith.constant 256 : i32
    %lt3A_9 = vector.broadcast %lt3A_8 : i32 to vector<16x16x1xi32>
    %lt3A_10 = arith.cmpi slt, %broadcast_in_dim3A, %lt3A_9 : vector<16x16x1xi32>
    %and3A = vector.broadcast %lt3A_10 : vector<16x16x1xi1> to vector<16x16x256xi1>
    %and3A_11 = arith.andi %eq3A_7, %and3A : vector<16x16x256xi1>
    %convert_element_type3A = arith.extui %and3A_11 : vector<16x16x256xi1> to vector<16x16x256xi32>
    %convert_element_type3A_12 = arith.sitofp %convert_element_type3A : vector<16x16x256xi32> to vector<16x16x256xf32>
    %slice3A = vector.extract_strided_slice %convert_element_type3A_12 {offsets = [0, 0, 0], sizes = [1, 16, 256], strides = [1, 1, 1]} : vector<16x16x256xf32> to vector<1x16x256xf32>
    %squeeze3A = vector.shape_cast %slice3A : vector<1x16x256xf32> to vector<16x256xf32>
    %get3A_13 = arith.constant 0 : index
    %get3A_14 = arith.constant 0 : index
    %get3A_15 = arith.constant 0 : index
    %get3A_16 = vector.load %arg1[%get3A_13, %get3A_14, %get3A_15] : memref<16x256x128xf32, #tpu.memory_space<vmem>>, vector<1x256x128xf32>
    %get3A_17 = vector.shape_cast %get3A_16 : vector<1x256x128xf32> to vector<256x128xf32>
    %dot_general3A = arith.constant dense<0.000000e+00> : vector<16x128xf32>
    %dot_general3A_18 = tpu.matmul %squeeze3A, %get3A_17, %dot_general3A {dimension_numbers = #tpu.dot_dimension_numbers<[1], [0], [0], [1], [0, 0, 1, 1], [], []>, transpose_lhs_hint = false} : vector<16x256xf32>, vector<256x128xf32>, vector<16x128xf32> -> vector<16x128xf32>
    %broadcast_in_dim3A_19 = vector.shape_cast %dot_general3A_18 : vector<16x128xf32> to vector<1x16x128xf32>
    %slice3A_20 = vector.extract_strided_slice %convert_element_type3A_12 {offsets = [1, 0, 0], sizes = [1, 16, 256], strides = [1, 1, 1]} : vector<16x16x256xf32> to vector<1x16x256xf32>
    %squeeze3A_21 = vector.shape_cast %slice3A_20 : vector<1x16x256xf32> to vector<16x256xf32>
    %get3A_22 = arith.constant 1 : index
    %get3A_23 = arith.constant 0 : index
    %get3A_24 = arith.constant 0 : index
    %get3A_25 = vector.load %arg1[%get3A_22, %get3A_23, %get3A_24] : memref<16x256x128xf32, #tpu.memory_space<vmem>>, vector<1x256x128xf32>
    %get3A_26 = vector.shape_cast %get3A_25 : vector<1x256x128xf32> to vector<256x128xf32>
    %dot_general3A_27 = arith.constant dense<0.000000e+00> : vector<16x128xf32>
    %dot_general3A_28 = tpu.matmul %squeeze3A_21, %get3A_26, %dot_general3A_27 {dimension_numbers = #tpu.dot_dimension_numbers<[1], [0], [0], [1], [0, 0, 1, 1], [], []>, transpose_lhs_hint = false} : vector<16x256xf32>, vector<256x128xf32>, vector<16x128xf32> -> vector<16x128xf32>
    %broadcast_in_dim3A_29 = vector.shape_cast %dot_general3A_28 : vector<16x128xf32> to vector<1x16x128xf32>
    %slice3A_30 = vector.extract_strided_slice %convert_element_type3A_12 {offsets = [2, 0, 0], sizes = [1, 16, 256], strides = [1, 1, 1]} : vector<16x16x256xf32> to vector<1x16x256xf32>
    %squeeze3A_31 = vector.shape_cast %slice3A_30 : vector<1x16x256xf32> to vector<16x256xf32>
    %get3A_32 = arith.constant 2 : index
    %get3A_33 = arith.constant 0 : index
    %get3A_34 = arith.constant 0 : index
    %get3A_35 = vector.load %arg1[%get3A_32, %get3A_33, %get3A_34] : memref<16x256x128xf32, #tpu.memory_space<vmem>>, vector<1x256x128xf32>
    %get3A_36 = vector.shape_cast %get3A_35 : vector<1x256x128xf32> to vector<256x128xf32>
    %dot_general3A_37 = arith.constant dense<0.000000e+00> : vector<16x128xf32>
    %dot_general3A_38 = tpu.matmul %squeeze3A_31, %get3A_36, %dot_general3A_37 {dimension_numbers = #tpu.dot_dimension_numbers<[1], [0], [0], [1], [0, 0, 1, 1], [], []>, transpose_lhs_hint = false} : vector<16x256xf32>, vector<256x128xf32>, vector<16x128xf32> -> vector<16x128xf32>
    %broadcast_in_dim3A_39 = vector.shape_cast %dot_general3A_38 : vector<16x128xf32> to vector<1x16x128xf32>
    %slice3A_40 = vector.extract_strided_slice %convert_element_type3A_12 {offsets = [3, 0, 0], sizes = [1, 16, 256], strides = [1, 1, 1]} : vector<16x16x256xf32> to vector<1x16x256xf32>
    %squeeze3A_41 = vector.shape_cast %slice3A_40 : vector<1x16x256xf32> to vector<16x256xf32>
    %get3A_42 = arith.constant 3 : index
    %get3A_43 = arith.constant 0 : index
    %get3A_44 = arith.constant 0 : index
    %get3A_45 = vector.load %arg1[%get3A_42, %get3A_43, %get3A_44] : memref<16x256x128xf32, #tpu.memory_space<vmem>>, vector<1x256x128xf32>
    %get3A_46 = vector.shape_cast %get3A_45 : vector<1x256x128xf32> to vector<256x128xf32>
    %dot_general3A_47 = arith.constant dense<0.000000e+00> : vector<16x128xf32>
    %dot_general3A_48 = tpu.matmul %squeeze3A_41, %get3A_46, %dot_general3A_47 {dimension_numbers = #tpu.dot_dimension_numbers<[1], [0], [0], [1], [0, 0, 1, 1], [], []>, transpose_lhs_hint = false} : vector<16x256xf32>, vector<256x128xf32>, vector<16x128xf32> -> vector<16x128xf32>
    %broadcast_in_dim3A_49 = vector.shape_cast %dot_general3A_48 : vector<16x128xf32> to vector<1x16x128xf32>
    %slice3A_50 = vector.extract_strided_slice %convert_element_type3A_12 {offsets = [4, 0, 0], sizes = [1, 16, 256], strides = [1, 1, 1]} : vector<16x16x256xf32> to vector<1x16x256xf32>
    %squeeze3A_51 = vector.shape_cast %slice3A_50 : vector<1x16x256xf32> to vector<16x256xf32>
    %get3A_52 = arith.constant 4 : index
    %get3A_53 = arith.constant 0 : index
    %get3A_54 = arith.constant 0 : index
    %get3A_55 = vector.load %arg1[%get3A_52, %get3A_53, %get3A_54] : memref<16x256x128xf32, #tpu.memory_space<vmem>>, vector<1x256x128xf32>
    %get3A_56 = vector.shape_cast %get3A_55 : vector<1x256x128xf32> to vector<256x128xf32>
    %dot_general3A_57 = arith.constant dense<0.000000e+00> : vector<16x128xf32>
    %dot_general3A_58 = tpu.matmul %squeeze3A_51, %get3A_56, %dot_general3A_57 {dimension_numbers = #tpu.dot_dimension_numbers<[1], [0], [0], [1], [0, 0, 1, 1], [], []>, transpose_lhs_hint = false} : vector<16x256xf32>, vector<256x128xf32>, vector<16x128xf32> -> vector<16x128xf32>
    %broadcast_in_dim3A_59 = vector.shape_cast %dot_general3A_58 : vector<16x128xf32> to vector<1x16x128xf32>
    %slice3A_60 = vector.extract_strided_slice %convert_element_type3A_12 {offsets = [5, 0, 0], sizes = [1, 16, 256], strides = [1, 1, 1]} : vector<16x16x256xf32> to vector<1x16x256xf32>
    %squeeze3A_61 = vector.shape_cast %slice3A_60 : vector<1x16x256xf32> to vector<16x256xf32>
    %get3A_62 = arith.constant 5 : index
    %get3A_63 = arith.constant 0 : index
    %get3A_64 = arith.constant 0 : index
    %get3A_65 = vector.load %arg1[%get3A_62, %get3A_63, %get3A_64] : memref<16x256x128xf32, #tpu.memory_space<vmem>>, vector<1x256x128xf32>
    %get3A_66 = vector.shape_cast %get3A_65 : vector<1x256x128xf32> to vector<256x128xf32>
    %dot_general3A_67 = arith.constant dense<0.000000e+00> : vector<16x128xf32>
    %dot_general3A_68 = tpu.matmul %squeeze3A_61, %get3A_66, %dot_general3A_67 {dimension_numbers = #tpu.dot_dimension_numbers<[1], [0], [0], [1], [0, 0, 1, 1], [], []>, transpose_lhs_hint = false} : vector<16x256xf32>, vector<256x128xf32>, vector<16x128xf32> -> vector<16x128xf32>
    %broadcast_in_dim3A_69 = vector.shape_cast %dot_general3A_68 : vector<16x128xf32> to vector<1x16x128xf32>
    %slice3A_70 = vector.extract_strided_slice %convert_element_type3A_12 {offsets = [6, 0, 0], sizes = [1, 16, 256], strides = [1, 1, 1]} : vector<16x16x256xf32> to vector<1x16x256xf32>
    %squeeze3A_71 = vector.shape_cast %slice3A_70 : vector<1x16x256xf32> to vector<16x256xf32>
    %get3A_72 = arith.constant 6 : index
    %get3A_73 = arith.constant 0 : index
    %get3A_74 = arith.constant 0 : index
    %get3A_75 = vector.load %arg1[%get3A_72, %get3A_73, %get3A_74] : memref<16x256x128xf32, #tpu.memory_space<vmem>>, vector<1x256x128xf32>
    %get3A_76 = vector.shape_cast %get3A_75 : vector<1x256x128xf32> to vector<256x128xf32>
    %dot_general3A_77 = arith.constant dense<0.000000e+00> : vector<16x128xf32>
    %dot_general3A_78 = tpu.matmul %squeeze3A_71, %get3A_76, %dot_general3A_77 {dimension_numbers = #tpu.dot_dimension_numbers<[1], [0], [0], [1], [0, 0, 1, 1], [], []>, transpose_lhs_hint = false} : vector<16x256xf32>, vector<256x128xf32>, vector<16x128xf32> -> vector<16x128xf32>
    %broadcast_in_dim3A_79 = vector.shape_cast %dot_general3A_78 : vector<16x128xf32> to vector<1x16x128xf32>
    %slice3A_80 = vector.extract_strided_slice %convert_element_type3A_12 {offsets = [7, 0, 0], sizes = [1, 16, 256], strides = [1, 1, 1]} : vector<16x16x256xf32> to vector<1x16x256xf32>
    %squeeze3A_81 = vector.shape_cast %slice3A_80 : vector<1x16x256xf32> to vector<16x256xf32>
    %get3A_82 = arith.constant 7 : index
    %get3A_83 = arith.constant 0 : index
    %get3A_84 = arith.constant 0 : index
    %get3A_85 = vector.load %arg1[%get3A_82, %get3A_83, %get3A_84] : memref<16x256x128xf32, #tpu.memory_space<vmem>>, vector<1x256x128xf32>
    %get3A_86 = vector.shape_cast %get3A_85 : vector<1x256x128xf32> to vector<256x128xf32>
    %dot_general3A_87 = arith.constant dense<0.000000e+00> : vector<16x128xf32>
    %dot_general3A_88 = tpu.matmul %squeeze3A_81, %get3A_86, %dot_general3A_87 {dimension_numbers = #tpu.dot_dimension_numbers<[1], [0], [0], [1], [0, 0, 1, 1], [], []>, transpose_lhs_hint = false} : vector<16x256xf32>, vector<256x128xf32>, vector<16x128xf32> -> vector<16x128xf32>
    %broadcast_in_dim3A_89 = vector.shape_cast %dot_general3A_88 : vector<16x128xf32> to vector<1x16x128xf32>
    %slice3A_90 = vector.extract_strided_slice %convert_element_type3A_12 {offsets = [8, 0, 0], sizes = [1, 16, 256], strides = [1, 1, 1]} : vector<16x16x256xf32> to vector<1x16x256xf32>
    %squeeze3A_91 = vector.shape_cast %slice3A_90 : vector<1x16x256xf32> to vector<16x256xf32>
    %get3A_92 = arith.constant 8 : index
    %get3A_93 = arith.constant 0 : index
    %get3A_94 = arith.constant 0 : index
    %get3A_95 = vector.load %arg1[%get3A_92, %get3A_93, %get3A_94] : memref<16x256x128xf32, #tpu.memory_space<vmem>>, vector<1x256x128xf32>
    %get3A_96 = vector.shape_cast %get3A_95 : vector<1x256x128xf32> to vector<256x128xf32>
    %dot_general3A_97 = arith.constant dense<0.000000e+00> : vector<16x128xf32>
    %dot_general3A_98 = tpu.matmul %squeeze3A_91, %get3A_96, %dot_general3A_97 {dimension_numbers = #tpu.dot_dimension_numbers<[1], [0], [0], [1], [0, 0, 1, 1], [], []>, transpose_lhs_hint = false} : vector<16x256xf32>, vector<256x128xf32>, vector<16x128xf32> -> vector<16x128xf32>
    %broadcast_in_dim3A_99 = vector.shape_cast %dot_general3A_98 : vector<16x128xf32> to vector<1x16x128xf32>
    %slice3A_100 = vector.extract_strided_slice %convert_element_type3A_12 {offsets = [9, 0, 0], sizes = [1, 16, 256], strides = [1, 1, 1]} : vector<16x16x256xf32> to vector<1x16x256xf32>
    %squeeze3A_101 = vector.shape_cast %slice3A_100 : vector<1x16x256xf32> to vector<16x256xf32>
    %get3A_102 = arith.constant 9 : index
    %get3A_103 = arith.constant 0 : index
    %get3A_104 = arith.constant 0 : index
    %get3A_105 = vector.load %arg1[%get3A_102, %get3A_103, %get3A_104] : memref<16x256x128xf32, #tpu.memory_space<vmem>>, vector<1x256x128xf32>
    %get3A_106 = vector.shape_cast %get3A_105 : vector<1x256x128xf32> to vector<256x128xf32>
    %dot_general3A_107 = arith.constant dense<0.000000e+00> : vector<16x128xf32>
    %dot_general3A_108 = tpu.matmul %squeeze3A_101, %get3A_106, %dot_general3A_107 {dimension_numbers = #tpu.dot_dimension_numbers<[1], [0], [0], [1], [0, 0, 1, 1], [], []>, transpose_lhs_hint = false} : vector<16x256xf32>, vector<256x128xf32>, vector<16x128xf32> -> vector<16x128xf32>
    %broadcast_in_dim3A_109 = vector.shape_cast %dot_general3A_108 : vector<16x128xf32> to vector<1x16x128xf32>
    %slice3A_110 = vector.extract_strided_slice %convert_element_type3A_12 {offsets = [10, 0, 0], sizes = [1, 16, 256], strides = [1, 1, 1]} : vector<16x16x256xf32> to vector<1x16x256xf32>
    %squeeze3A_111 = vector.shape_cast %slice3A_110 : vector<1x16x256xf32> to vector<16x256xf32>
    %get3A_112 = arith.constant 10 : index
    %get3A_113 = arith.constant 0 : index
    %get3A_114 = arith.constant 0 : index
    %get3A_115 = vector.load %arg1[%get3A_112, %get3A_113, %get3A_114] : memref<16x256x128xf32, #tpu.memory_space<vmem>>, vector<1x256x128xf32>
    %get3A_116 = vector.shape_cast %get3A_115 : vector<1x256x128xf32> to vector<256x128xf32>
    %dot_general3A_117 = arith.constant dense<0.000000e+00> : vector<16x128xf32>
    %dot_general3A_118 = tpu.matmul %squeeze3A_111, %get3A_116, %dot_general3A_117 {dimension_numbers = #tpu.dot_dimension_numbers<[1], [0], [0], [1], [0, 0, 1, 1], [], []>, transpose_lhs_hint = false} : vector<16x256xf32>, vector<256x128xf32>, vector<16x128xf32> -> vector<16x128xf32>
    %broadcast_in_dim3A_119 = vector.shape_cast %dot_general3A_118 : vector<16x128xf32> to vector<1x16x128xf32>
    %slice3A_120 = vector.extract_strided_slice %convert_element_type3A_12 {offsets = [11, 0, 0], sizes = [1, 16, 256], strides = [1, 1, 1]} : vector<16x16x256xf32> to vector<1x16x256xf32>
    %squeeze3A_121 = vector.shape_cast %slice3A_120 : vector<1x16x256xf32> to vector<16x256xf32>
    %get3A_122 = arith.constant 11 : index
    %get3A_123 = arith.constant 0 : index
    %get3A_124 = arith.constant 0 : index
    %get3A_125 = vector.load %arg1[%get3A_122, %get3A_123, %get3A_124] : memref<16x256x128xf32, #tpu.memory_space<vmem>>, vector<1x256x128xf32>
    %get3A_126 = vector.shape_cast %get3A_125 : vector<1x256x128xf32> to vector<256x128xf32>
    %dot_general3A_127 = arith.constant dense<0.000000e+00> : vector<16x128xf32>
    %dot_general3A_128 = tpu.matmul %squeeze3A_121, %get3A_126, %dot_general3A_127 {dimension_numbers = #tpu.dot_dimension_numbers<[1], [0], [0], [1], [0, 0, 1, 1], [], []>, transpose_lhs_hint = false} : vector<16x256xf32>, vector<256x128xf32>, vector<16x128xf32> -> vector<16x128xf32>
    %broadcast_in_dim3A_129 = vector.shape_cast %dot_general3A_128 : vector<16x128xf32> to vector<1x16x128xf32>
    %slice3A_130 = vector.extract_strided_slice %convert_element_type3A_12 {offsets = [12, 0, 0], sizes = [1, 16, 256], strides = [1, 1, 1]} : vector<16x16x256xf32> to vector<1x16x256xf32>
    %squeeze3A_131 = vector.shape_cast %slice3A_130 : vector<1x16x256xf32> to vector<16x256xf32>
    %get3A_132 = arith.constant 12 : index
    %get3A_133 = arith.constant 0 : index
    %get3A_134 = arith.constant 0 : index
    %get3A_135 = vector.load %arg1[%get3A_132, %get3A_133, %get3A_134] : memref<16x256x128xf32, #tpu.memory_space<vmem>>, vector<1x256x128xf32>
    %get3A_136 = vector.shape_cast %get3A_135 : vector<1x256x128xf32> to vector<256x128xf32>
    %dot_general3A_137 = arith.constant dense<0.000000e+00> : vector<16x128xf32>
    %dot_general3A_138 = tpu.matmul %squeeze3A_131, %get3A_136, %dot_general3A_137 {dimension_numbers = #tpu.dot_dimension_numbers<[1], [0], [0], [1], [0, 0, 1, 1], [], []>, transpose_lhs_hint = false} : vector<16x256xf32>, vector<256x128xf32>, vector<16x128xf32> -> vector<16x128xf32>
    %broadcast_in_dim3A_139 = vector.shape_cast %dot_general3A_138 : vector<16x128xf32> to vector<1x16x128xf32>
    %slice3A_140 = vector.extract_strided_slice %convert_element_type3A_12 {offsets = [13, 0, 0], sizes = [1, 16, 256], strides = [1, 1, 1]} : vector<16x16x256xf32> to vector<1x16x256xf32>
    %squeeze3A_141 = vector.shape_cast %slice3A_140 : vector<1x16x256xf32> to vector<16x256xf32>
    %get3A_142 = arith.constant 13 : index
    %get3A_143 = arith.constant 0 : index
    %get3A_144 = arith.constant 0 : index
    %get3A_145 = vector.load %arg1[%get3A_142, %get3A_143, %get3A_144] : memref<16x256x128xf32, #tpu.memory_space<vmem>>, vector<1x256x128xf32>
    %get3A_146 = vector.shape_cast %get3A_145 : vector<1x256x128xf32> to vector<256x128xf32>
    %dot_general3A_147 = arith.constant dense<0.000000e+00> : vector<16x128xf32>
    %dot_general3A_148 = tpu.matmul %squeeze3A_141, %get3A_146, %dot_general3A_147 {dimension_numbers = #tpu.dot_dimension_numbers<[1], [0], [0], [1], [0, 0, 1, 1], [], []>, transpose_lhs_hint = false} : vector<16x256xf32>, vector<256x128xf32>, vector<16x128xf32> -> vector<16x128xf32>
    %broadcast_in_dim3A_149 = vector.shape_cast %dot_general3A_148 : vector<16x128xf32> to vector<1x16x128xf32>
    %slice3A_150 = vector.extract_strided_slice %convert_element_type3A_12 {offsets = [14, 0, 0], sizes = [1, 16, 256], strides = [1, 1, 1]} : vector<16x16x256xf32> to vector<1x16x256xf32>
    %squeeze3A_151 = vector.shape_cast %slice3A_150 : vector<1x16x256xf32> to vector<16x256xf32>
    %get3A_152 = arith.constant 14 : index
    %get3A_153 = arith.constant 0 : index
    %get3A_154 = arith.constant 0 : index
    %get3A_155 = vector.load %arg1[%get3A_152, %get3A_153, %get3A_154] : memref<16x256x128xf32, #tpu.memory_space<vmem>>, vector<1x256x128xf32>
    %get3A_156 = vector.shape_cast %get3A_155 : vector<1x256x128xf32> to vector<256x128xf32>
    %dot_general3A_157 = arith.constant dense<0.000000e+00> : vector<16x128xf32>
    %dot_general3A_158 = tpu.matmul %squeeze3A_151, %get3A_156, %dot_general3A_157 {dimension_numbers = #tpu.dot_dimension_numbers<[1], [0], [0], [1], [0, 0, 1, 1], [], []>, transpose_lhs_hint = false} : vector<16x256xf32>, vector<256x128xf32>, vector<16x128xf32> -> vector<16x128xf32>
    %broadcast_in_dim3A_159 = vector.shape_cast %dot_general3A_158 : vector<16x128xf32> to vector<1x16x128xf32>
    %slice3A_160 = vector.extract_strided_slice %convert_element_type3A_12 {offsets = [15, 0, 0], sizes = [1, 16, 256], strides = [1, 1, 1]} : vector<16x16x256xf32> to vector<1x16x256xf32>
    %squeeze3A_161 = vector.shape_cast %slice3A_160 : vector<1x16x256xf32> to vector<16x256xf32>
    %get3A_162 = arith.constant 15 : index
    %get3A_163 = arith.constant 0 : index
    %get3A_164 = arith.constant 0 : index
    %get3A_165 = vector.load %arg1[%get3A_162, %get3A_163, %get3A_164] : memref<16x256x128xf32, #tpu.memory_space<vmem>>, vector<1x256x128xf32>
    %get3A_166 = vector.shape_cast %get3A_165 : vector<1x256x128xf32> to vector<256x128xf32>
    %dot_general3A_167 = arith.constant dense<0.000000e+00> : vector<16x128xf32>
    %dot_general3A_168 = tpu.matmul %squeeze3A_161, %get3A_166, %dot_general3A_167 {dimension_numbers = #tpu.dot_dimension_numbers<[1], [0], [0], [1], [0, 0, 1, 1], [], []>, transpose_lhs_hint = false} : vector<16x256xf32>, vector<256x128xf32>, vector<16x128xf32> -> vector<16x128xf32>
    %broadcast_in_dim3A_169 = vector.shape_cast %dot_general3A_168 : vector<16x128xf32> to vector<1x16x128xf32>
    %concatenate3A = tpu.concatenate %broadcast_in_dim3A_19, %broadcast_in_dim3A_29, %broadcast_in_dim3A_39, %broadcast_in_dim3A_49, %broadcast_in_dim3A_59, %broadcast_in_dim3A_69, %broadcast_in_dim3A_79, %broadcast_in_dim3A_89, %broadcast_in_dim3A_99, %broadcast_in_dim3A_109, %broadcast_in_dim3A_119, %broadcast_in_dim3A_129, %broadcast_in_dim3A_139, %broadcast_in_dim3A_149, %broadcast_in_dim3A_159, %broadcast_in_dim3A_169 in 0 : vector<1x16x128xf32>, vector<1x16x128xf32>, vector<1x16x128xf32>, vector<1x16x128xf32>, vector<1x16x128xf32>, vector<1x16x128xf32>, vector<1x16x128xf32>, vector<1x16x128xf32>, vector<1x16x128xf32>, vector<1x16x128xf32>, vector<1x16x128xf32>, vector<1x16x128xf32>, vector<1x16x128xf32>, vector<1x16x128xf32>, vector<1x16x128xf32>, vector<1x16x128xf32> -> vector<16x16x128xf32>
    %get3A_170 = arith.constant 0 : index
    %get3A_171 = arith.constant 0 : index
    %get3A_172 = vector.load %arg3[%get3A_170, %get3A_171] : memref<16x128xf32, #tpu.memory_space<vmem>>, vector<16x128xf32>
    %broadcast_in_dim3A_173 = vector.shape_cast %get3A_172 : vector<16x128xf32> to vector<1x16x128xf32>
    %add3A = vector.broadcast %broadcast_in_dim3A_173 : vector<1x16x128xf32> to vector<16x16x128xf32>
    %add3A_174 = arith.addf %concatenate3A, %add3A : vector<16x16x128xf32>
    %reshape3A = vector.shape_cast %add3A_174 : vector<16x16x128xf32> to vector<256x128xf32>
    %get3A_175 = arith.constant 0 : index
    %get3A_176 = arith.constant 0 : index
    %get3A_177 = vector.load %arg6[%get3A_175, %get3A_176] : memref<128x256xf32, #tpu.memory_space<vmem>>, vector<128x256xf32>
    %dot_general3A_178 = arith.constant dense<0.000000e+00> : vector<256x256xf32>
    %dot_general3A_179 = tpu.matmul %reshape3A, %get3A_177, %dot_general3A_178 {dimension_numbers = #tpu.dot_dimension_numbers<[1], [0], [0], [1], [0, 0, 1, 1], [], []>, transpose_lhs_hint = false} : vector<256x128xf32>, vector<128x256xf32>, vector<256x256xf32> -> vector<256x256xf32>
    %get3A_180 = arith.constant 0 : index
    %get3A_181 = arith.constant 0 : index
    %get3A_182 = vector.load %arg7[%get3A_180, %get3A_181] : memref<1x256xf32, #tpu.memory_space<vmem>>, vector<1x256xf32>
    %add3A_183 = vector.broadcast %get3A_182 : vector<1x256xf32> to vector<256x256xf32>
    %add3A_184 = arith.addf %dot_general3A_179, %add3A_183 : vector<256x256xf32>
    %get3A_185 = arith.constant 0 : index
    %get3A_186 = arith.constant 0 : index
    %get3A_187 = vector.load %arg8[%get3A_185, %get3A_186] : memref<128x256xf32, #tpu.memory_space<vmem>>, vector<128x256xf32>
    %dot_general3A_188 = arith.constant dense<0.000000e+00> : vector<256x256xf32>
    %dot_general3A_189 = tpu.matmul %reshape3A, %get3A_187, %dot_general3A_188 {dimension_numbers = #tpu.dot_dimension_numbers<[1], [0], [0], [1], [0, 0, 1, 1], [], []>, transpose_lhs_hint = false} : vector<256x128xf32>, vector<128x256xf32>, vector<256x256xf32> -> vector<256x256xf32>
    %get3A_190 = arith.constant 0 : index
    %get3A_191 = arith.constant 0 : index
    %get3A_192 = vector.load %arg9[%get3A_190, %get3A_191] : memref<1x256xf32, #tpu.memory_space<vmem>>, vector<1x256xf32>
    %add3A_193 = vector.broadcast %get3A_192 : vector<1x256xf32> to vector<256x256xf32>
    %add3A_194 = arith.addf %dot_general3A_189, %add3A_193 : vector<256x256xf32>
    %get3A_195 = arith.constant 0 : index
    %get3A_196 = arith.constant 0 : index
    %get3A_197 = vector.load %arg4[%get3A_195, %get3A_196] : memref<128x256xf32, #tpu.memory_space<vmem>>, vector<128x256xf32>
    %dot_general3A_198 = arith.constant dense<0.000000e+00> : vector<16x256xf32>
    %dot_general3A_199 = tpu.matmul %get3A_1, %get3A_197, %dot_general3A_198 {dimension_numbers = #tpu.dot_dimension_numbers<[1], [0], [0], [1], [0, 0, 1, 1], [], []>, transpose_lhs_hint = false} : vector<16x128xf32>, vector<128x256xf32>, vector<16x256xf32> -> vector<16x256xf32>
    %get3A_200 = arith.constant 0 : index
    %get3A_201 = arith.constant 0 : index
    %get3A_202 = vector.load %arg5[%get3A_200, %get3A_201] : memref<1x256xf32, #tpu.memory_space<vmem>>, vector<1x256xf32>
    %add3A_203 = vector.broadcast %get3A_202 : vector<1x256xf32> to vector<16x256xf32>
    %add3A_204 = arith.addf %dot_general3A_199, %add3A_203 : vector<16x256xf32>
    %get3A_205 = arith.constant 0 : index
    %get3A_206 = arith.constant 0 : index
    %get3A_207 = vector.load %arg10[%get3A_205, %get3A_206] : memref<256x256xf32, #tpu.memory_space<vmem>>, vector<256x256xf32>
    %dot_general3A_208 = arith.constant dense<0.000000e+00> : vector<16x256xf32>
    %dot_general3A_209 = tpu.matmul %add3A_204, %get3A_207, %dot_general3A_208 {dimension_numbers = #tpu.dot_dimension_numbers<[1], [0], [0], [1], [0, 0, 1, 1], [], []>, transpose_lhs_hint = false} : vector<16x256xf32>, vector<256x256xf32>, vector<16x256xf32> -> vector<16x256xf32>
    %get3A_210 = arith.constant 0 : index
    %get3A_211 = arith.constant 0 : index
    %get3A_212 = vector.load %arg11[%get3A_210, %get3A_211] : memref<1x256xf32, #tpu.memory_space<vmem>>, vector<1x256xf32>
    %add3A_213 = vector.broadcast %get3A_212 : vector<1x256xf32> to vector<16x256xf32>
    %add3A_214 = arith.addf %dot_general3A_209, %add3A_213 : vector<16x256xf32>
    %mul3A = arith.constant 0.176776692 : f32
    %mul3A_215 = vector.broadcast %mul3A : f32 to vector<16x256xf32>
    %mul3A_216 = arith.mulf %add3A_214, %mul3A_215 : vector<16x256xf32>
    %get3A_217 = arith.constant 0 : index
    %get3A_218 = arith.constant 0 : index
    %get3A_219 = vector.load %arg12[%get3A_217, %get3A_218] : memref<256x256xf32, #tpu.memory_space<vmem>>, vector<256x256xf32>
    %dot_general3A_220 = arith.constant dense<0.000000e+00> : vector<256x256xf32>
    %dot_general3A_221 = tpu.matmul %add3A_184, %get3A_219, %dot_general3A_220 {dimension_numbers = #tpu.dot_dimension_numbers<[1], [0], [0], [1], [0, 0, 1, 1], [], []>, transpose_lhs_hint = false} : vector<256x256xf32>, vector<256x256xf32>, vector<256x256xf32> -> vector<256x256xf32>
    %get3A_222 = arith.constant 0 : index
    %get3A_223 = arith.constant 0 : index
    %get3A_224 = vector.load %arg13[%get3A_222, %get3A_223] : memref<1x256xf32, #tpu.memory_space<vmem>>, vector<1x256xf32>
    %add3A_225 = vector.broadcast %get3A_224 : vector<1x256xf32> to vector<256x256xf32>
    %add3A_226 = arith.addf %dot_general3A_221, %add3A_225 : vector<256x256xf32>
    %reshape3A_227 = vector.shape_cast %add3A_226 : vector<256x256xf32> to vector<16x16x256xf32>
    %get3A_228 = arith.constant 0 : index
    %get3A_229 = arith.constant 0 : index
    %get3A_230 = vector.load %arg14[%get3A_228, %get3A_229] : memref<256x256xf32, #tpu.memory_space<vmem>>, vector<256x256xf32>
    %dot_general3A_231 = arith.constant dense<0.000000e+00> : vector<256x256xf32>
    %dot_general3A_232 = tpu.matmul %add3A_194, %get3A_230, %dot_general3A_231 {dimension_numbers = #tpu.dot_dimension_numbers<[1], [0], [0], [1], [0, 0, 1, 1], [], []>, transpose_lhs_hint = false} : vector<256x256xf32>, vector<256x256xf32>, vector<256x256xf32> -> vector<256x256xf32>
    %get3A_233 = arith.constant 0 : index
    %get3A_234 = arith.constant 0 : index
    %get3A_235 = vector.load %arg15[%get3A_233, %get3A_234] : memref<1x256xf32, #tpu.memory_space<vmem>>, vector<1x256xf32>
    %add3A_236 = vector.broadcast %get3A_235 : vector<1x256xf32> to vector<256x256xf32>
    %add3A_237 = arith.addf %dot_general3A_232, %add3A_236 : vector<256x256xf32>
    %reshape3A_238 = vector.shape_cast %add3A_237 : vector<256x256xf32> to vector<16x16x256xf32>
    %slice3A_239 = vector.extract_strided_slice %mul3A_216 {offsets = [0, 0], sizes = [16, 32], strides = [1, 1]} : vector<16x256xf32> to vector<16x32xf32>
    %slice3A_240 = vector.extract_strided_slice %reshape3A_227 {offsets = [0, 0, 0], sizes = [16, 16, 32], strides = [1, 1, 1]} : vector<16x16x256xf32> to vector<16x16x32xf32>
    %slice3A_241 = vector.extract_strided_slice %reshape3A_238 {offsets = [0, 0, 0], sizes = [16, 16, 32], strides = [1, 1, 1]} : vector<16x16x256xf32> to vector<16x16x32xf32>
    %broadcast_in_dim3A_242 = vector.shape_cast %slice3A_239 : vector<16x32xf32> to vector<16x1x32xf32>
    %mul3A_243 = vector.broadcast %broadcast_in_dim3A_242 : vector<16x1x32xf32> to vector<16x16x32xf32>
    %mul3A_244 = arith.mulf %mul3A_243, %slice3A_240 : vector<16x16x32xf32>
    %reduce_sum3A = arith.constant dense<0.000000e+00> : vector<16x16xf32>
    %reduce_sum3A_245 = vector.multi_reduction <add>, %mul3A_244, %reduce_sum3A [2] : vector<16x16x32xf32> to vector<16x16xf32>
    %jit3A = arith.constant -1.000000e+30 : f32
    %broadcast_in_dim3A_246 = vector.broadcast %jit3A : f32 to vector<16x16xf32>
    %select_n3A = arith.select %lt3A_6, %reduce_sum3A_245, %broadcast_in_dim3A_246 : vector<16x16xi1>, vector<16x16xf32>
    %reduce_max3A = arith.constant dense<0xFF800000> : vector<16xf32>
    %reduce_max3A_247 = vector.multi_reduction <maximumf>, %select_n3A, %reduce_max3A [1] : vector<16x16xf32> to vector<16xf32>
    %broadcast_in_dim3A_248 = vector.shape_cast %reduce_max3A_247 : vector<16xf32> to vector<16x1xf32>
    %sub3A = vector.broadcast %broadcast_in_dim3A_248 : vector<16x1xf32> to vector<16x16xf32>
    %sub3A_249 = arith.subf %select_n3A, %sub3A : vector<16x16xf32>
    %exp3A = math.exp %sub3A_249 : vector<16x16xf32>
    %reduce_sum3A_250 = arith.constant dense<0.000000e+00> : vector<16xf32>
    %reduce_sum3A_251 = vector.multi_reduction <add>, %exp3A, %reduce_sum3A_250 [1] : vector<16x16xf32> to vector<16xf32>
    %broadcast_in_dim3A_252 = vector.shape_cast %reduce_sum3A_251 : vector<16xf32> to vector<16x1xf32>
    %div3A = vector.broadcast %broadcast_in_dim3A_252 : vector<16x1xf32> to vector<16x16xf32>
    %div3A_253 = arith.divf %exp3A, %div3A : vector<16x16xf32>
    %broadcast_in_dim3A_254 = vector.shape_cast %div3A_253 : vector<16x16xf32> to vector<16x16x1xf32>
    %mul3A_255 = vector.broadcast %broadcast_in_dim3A_254 : vector<16x16x1xf32> to vector<16x16x32xf32>
    %mul3A_256 = arith.mulf %mul3A_255, %slice3A_241 : vector<16x16x32xf32>
    %reduce_sum3A_257 = arith.constant dense<0.000000e+00> : vector<16x32xf32>
    %reduce_sum3A_258 = vector.multi_reduction <add>, %mul3A_256, %reduce_sum3A_257 [1] : vector<16x16x32xf32> to vector<16x32xf32>
    %slice3A_259 = vector.extract_strided_slice %mul3A_216 {offsets = [0, 32], sizes = [16, 32], strides = [1, 1]} : vector<16x256xf32> to vector<16x32xf32>
    %slice3A_260 = vector.extract_strided_slice %reshape3A_227 {offsets = [0, 0, 32], sizes = [16, 16, 32], strides = [1, 1, 1]} : vector<16x16x256xf32> to vector<16x16x32xf32>
    %slice3A_261 = vector.extract_strided_slice %reshape3A_238 {offsets = [0, 0, 32], sizes = [16, 16, 32], strides = [1, 1, 1]} : vector<16x16x256xf32> to vector<16x16x32xf32>
    %broadcast_in_dim3A_262 = vector.shape_cast %slice3A_259 : vector<16x32xf32> to vector<16x1x32xf32>
    %mul3A_263 = vector.broadcast %broadcast_in_dim3A_262 : vector<16x1x32xf32> to vector<16x16x32xf32>
    %mul3A_264 = arith.mulf %mul3A_263, %slice3A_260 : vector<16x16x32xf32>
    %reduce_sum3A_265 = arith.constant dense<0.000000e+00> : vector<16x16xf32>
    %reduce_sum3A_266 = vector.multi_reduction <add>, %mul3A_264, %reduce_sum3A_265 [2] : vector<16x16x32xf32> to vector<16x16xf32>
    %jit3A_267 = arith.constant -1.000000e+30 : f32
    %broadcast_in_dim3A_268 = vector.broadcast %jit3A_267 : f32 to vector<16x16xf32>
    %select_n3A_269 = arith.select %lt3A_6, %reduce_sum3A_266, %broadcast_in_dim3A_268 : vector<16x16xi1>, vector<16x16xf32>
    %reduce_max3A_270 = arith.constant dense<0xFF800000> : vector<16xf32>
    %reduce_max3A_271 = vector.multi_reduction <maximumf>, %select_n3A_269, %reduce_max3A_270 [1] : vector<16x16xf32> to vector<16xf32>
    %broadcast_in_dim3A_272 = vector.shape_cast %reduce_max3A_271 : vector<16xf32> to vector<16x1xf32>
    %sub3A_273 = vector.broadcast %broadcast_in_dim3A_272 : vector<16x1xf32> to vector<16x16xf32>
    %sub3A_274 = arith.subf %select_n3A_269, %sub3A_273 : vector<16x16xf32>
    %exp3A_275 = math.exp %sub3A_274 : vector<16x16xf32>
    %reduce_sum3A_276 = arith.constant dense<0.000000e+00> : vector<16xf32>
    %reduce_sum3A_277 = vector.multi_reduction <add>, %exp3A_275, %reduce_sum3A_276 [1] : vector<16x16xf32> to vector<16xf32>
    %broadcast_in_dim3A_278 = vector.shape_cast %reduce_sum3A_277 : vector<16xf32> to vector<16x1xf32>
    %div3A_279 = vector.broadcast %broadcast_in_dim3A_278 : vector<16x1xf32> to vector<16x16xf32>
    %div3A_280 = arith.divf %exp3A_275, %div3A_279 : vector<16x16xf32>
    %broadcast_in_dim3A_281 = vector.shape_cast %div3A_280 : vector<16x16xf32> to vector<16x16x1xf32>
    %mul3A_282 = vector.broadcast %broadcast_in_dim3A_281 : vector<16x16x1xf32> to vector<16x16x32xf32>
    %mul3A_283 = arith.mulf %mul3A_282, %slice3A_261 : vector<16x16x32xf32>
    %reduce_sum3A_284 = arith.constant dense<0.000000e+00> : vector<16x32xf32>
    %reduce_sum3A_285 = vector.multi_reduction <add>, %mul3A_283, %reduce_sum3A_284 [1] : vector<16x16x32xf32> to vector<16x32xf32>
    %slice3A_286 = vector.extract_strided_slice %mul3A_216 {offsets = [0, 64], sizes = [16, 32], strides = [1, 1]} : vector<16x256xf32> to vector<16x32xf32>
    %slice3A_287 = vector.extract_strided_slice %reshape3A_227 {offsets = [0, 0, 64], sizes = [16, 16, 32], strides = [1, 1, 1]} : vector<16x16x256xf32> to vector<16x16x32xf32>
    %slice3A_288 = vector.extract_strided_slice %reshape3A_238 {offsets = [0, 0, 64], sizes = [16, 16, 32], strides = [1, 1, 1]} : vector<16x16x256xf32> to vector<16x16x32xf32>
    %broadcast_in_dim3A_289 = vector.shape_cast %slice3A_286 : vector<16x32xf32> to vector<16x1x32xf32>
    %mul3A_290 = vector.broadcast %broadcast_in_dim3A_289 : vector<16x1x32xf32> to vector<16x16x32xf32>
    %mul3A_291 = arith.mulf %mul3A_290, %slice3A_287 : vector<16x16x32xf32>
    %reduce_sum3A_292 = arith.constant dense<0.000000e+00> : vector<16x16xf32>
    %reduce_sum3A_293 = vector.multi_reduction <add>, %mul3A_291, %reduce_sum3A_292 [2] : vector<16x16x32xf32> to vector<16x16xf32>
    %jit3A_294 = arith.constant -1.000000e+30 : f32
    %broadcast_in_dim3A_295 = vector.broadcast %jit3A_294 : f32 to vector<16x16xf32>
    %select_n3A_296 = arith.select %lt3A_6, %reduce_sum3A_293, %broadcast_in_dim3A_295 : vector<16x16xi1>, vector<16x16xf32>
    %reduce_max3A_297 = arith.constant dense<0xFF800000> : vector<16xf32>
    %reduce_max3A_298 = vector.multi_reduction <maximumf>, %select_n3A_296, %reduce_max3A_297 [1] : vector<16x16xf32> to vector<16xf32>
    %broadcast_in_dim3A_299 = vector.shape_cast %reduce_max3A_298 : vector<16xf32> to vector<16x1xf32>
    %sub3A_300 = vector.broadcast %broadcast_in_dim3A_299 : vector<16x1xf32> to vector<16x16xf32>
    %sub3A_301 = arith.subf %select_n3A_296, %sub3A_300 : vector<16x16xf32>
    %exp3A_302 = math.exp %sub3A_301 : vector<16x16xf32>
    %reduce_sum3A_303 = arith.constant dense<0.000000e+00> : vector<16xf32>
    %reduce_sum3A_304 = vector.multi_reduction <add>, %exp3A_302, %reduce_sum3A_303 [1] : vector<16x16xf32> to vector<16xf32>
    %broadcast_in_dim3A_305 = vector.shape_cast %reduce_sum3A_304 : vector<16xf32> to vector<16x1xf32>
    %div3A_306 = vector.broadcast %broadcast_in_dim3A_305 : vector<16x1xf32> to vector<16x16xf32>
    %div3A_307 = arith.divf %exp3A_302, %div3A_306 : vector<16x16xf32>
    %broadcast_in_dim3A_308 = vector.shape_cast %div3A_307 : vector<16x16xf32> to vector<16x16x1xf32>
    %mul3A_309 = vector.broadcast %broadcast_in_dim3A_308 : vector<16x16x1xf32> to vector<16x16x32xf32>
    %mul3A_310 = arith.mulf %mul3A_309, %slice3A_288 : vector<16x16x32xf32>
    %reduce_sum3A_311 = arith.constant dense<0.000000e+00> : vector<16x32xf32>
    %reduce_sum3A_312 = vector.multi_reduction <add>, %mul3A_310, %reduce_sum3A_311 [1] : vector<16x16x32xf32> to vector<16x32xf32>
    %slice3A_313 = vector.extract_strided_slice %mul3A_216 {offsets = [0, 96], sizes = [16, 32], strides = [1, 1]} : vector<16x256xf32> to vector<16x32xf32>
    %slice3A_314 = vector.extract_strided_slice %reshape3A_227 {offsets = [0, 0, 96], sizes = [16, 16, 32], strides = [1, 1, 1]} : vector<16x16x256xf32> to vector<16x16x32xf32>
    %slice3A_315 = vector.extract_strided_slice %reshape3A_238 {offsets = [0, 0, 96], sizes = [16, 16, 32], strides = [1, 1, 1]} : vector<16x16x256xf32> to vector<16x16x32xf32>
    %broadcast_in_dim3A_316 = vector.shape_cast %slice3A_313 : vector<16x32xf32> to vector<16x1x32xf32>
    %mul3A_317 = vector.broadcast %broadcast_in_dim3A_316 : vector<16x1x32xf32> to vector<16x16x32xf32>
    %mul3A_318 = arith.mulf %mul3A_317, %slice3A_314 : vector<16x16x32xf32>
    %reduce_sum3A_319 = arith.constant dense<0.000000e+00> : vector<16x16xf32>
    %reduce_sum3A_320 = vector.multi_reduction <add>, %mul3A_318, %reduce_sum3A_319 [2] : vector<16x16x32xf32> to vector<16x16xf32>
    %jit3A_321 = arith.constant -1.000000e+30 : f32
    %broadcast_in_dim3A_322 = vector.broadcast %jit3A_321 : f32 to vector<16x16xf32>
    %select_n3A_323 = arith.select %lt3A_6, %reduce_sum3A_320, %broadcast_in_dim3A_322 : vector<16x16xi1>, vector<16x16xf32>
    %reduce_max3A_324 = arith.constant dense<0xFF800000> : vector<16xf32>
    %reduce_max3A_325 = vector.multi_reduction <maximumf>, %select_n3A_323, %reduce_max3A_324 [1] : vector<16x16xf32> to vector<16xf32>
    %broadcast_in_dim3A_326 = vector.shape_cast %reduce_max3A_325 : vector<16xf32> to vector<16x1xf32>
    %sub3A_327 = vector.broadcast %broadcast_in_dim3A_326 : vector<16x1xf32> to vector<16x16xf32>
    %sub3A_328 = arith.subf %select_n3A_323, %sub3A_327 : vector<16x16xf32>
    %exp3A_329 = math.exp %sub3A_328 : vector<16x16xf32>
    %reduce_sum3A_330 = arith.constant dense<0.000000e+00> : vector<16xf32>
    %reduce_sum3A_331 = vector.multi_reduction <add>, %exp3A_329, %reduce_sum3A_330 [1] : vector<16x16xf32> to vector<16xf32>
    %broadcast_in_dim3A_332 = vector.shape_cast %reduce_sum3A_331 : vector<16xf32> to vector<16x1xf32>
    %div3A_333 = vector.broadcast %broadcast_in_dim3A_332 : vector<16x1xf32> to vector<16x16xf32>
    %div3A_334 = arith.divf %exp3A_329, %div3A_333 : vector<16x16xf32>
    %broadcast_in_dim3A_335 = vector.shape_cast %div3A_334 : vector<16x16xf32> to vector<16x16x1xf32>
    %mul3A_336 = vector.broadcast %broadcast_in_dim3A_335 : vector<16x16x1xf32> to vector<16x16x32xf32>
    %mul3A_337 = arith.mulf %mul3A_336, %slice3A_315 : vector<16x16x32xf32>
    %reduce_sum3A_338 = arith.constant dense<0.000000e+00> : vector<16x32xf32>
    %reduce_sum3A_339 = vector.multi_reduction <add>, %mul3A_337, %reduce_sum3A_338 [1] : vector<16x16x32xf32> to vector<16x32xf32>
    %slice3A_340 = vector.extract_strided_slice %mul3A_216 {offsets = [0, 128], sizes = [16, 32], strides = [1, 1]} : vector<16x256xf32> to vector<16x32xf32>
    %slice3A_341 = vector.extract_strided_slice %reshape3A_227 {offsets = [0, 0, 128], sizes = [16, 16, 32], strides = [1, 1, 1]} : vector<16x16x256xf32> to vector<16x16x32xf32>
    %slice3A_342 = vector.extract_strided_slice %reshape3A_238 {offsets = [0, 0, 128], sizes = [16, 16, 32], strides = [1, 1, 1]} : vector<16x16x256xf32> to vector<16x16x32xf32>
    %broadcast_in_dim3A_343 = vector.shape_cast %slice3A_340 : vector<16x32xf32> to vector<16x1x32xf32>
    %mul3A_344 = vector.broadcast %broadcast_in_dim3A_343 : vector<16x1x32xf32> to vector<16x16x32xf32>
    %mul3A_345 = arith.mulf %mul3A_344, %slice3A_341 : vector<16x16x32xf32>
    %reduce_sum3A_346 = arith.constant dense<0.000000e+00> : vector<16x16xf32>
    %reduce_sum3A_347 = vector.multi_reduction <add>, %mul3A_345, %reduce_sum3A_346 [2] : vector<16x16x32xf32> to vector<16x16xf32>
    %jit3A_348 = arith.constant -1.000000e+30 : f32
    %broadcast_in_dim3A_349 = vector.broadcast %jit3A_348 : f32 to vector<16x16xf32>
    %select_n3A_350 = arith.select %lt3A_6, %reduce_sum3A_347, %broadcast_in_dim3A_349 : vector<16x16xi1>, vector<16x16xf32>
    %reduce_max3A_351 = arith.constant dense<0xFF800000> : vector<16xf32>
    %reduce_max3A_352 = vector.multi_reduction <maximumf>, %select_n3A_350, %reduce_max3A_351 [1] : vector<16x16xf32> to vector<16xf32>
    %broadcast_in_dim3A_353 = vector.shape_cast %reduce_max3A_352 : vector<16xf32> to vector<16x1xf32>
    %sub3A_354 = vector.broadcast %broadcast_in_dim3A_353 : vector<16x1xf32> to vector<16x16xf32>
    %sub3A_355 = arith.subf %select_n3A_350, %sub3A_354 : vector<16x16xf32>
    %exp3A_356 = math.exp %sub3A_355 : vector<16x16xf32>
    %reduce_sum3A_357 = arith.constant dense<0.000000e+00> : vector<16xf32>
    %reduce_sum3A_358 = vector.multi_reduction <add>, %exp3A_356, %reduce_sum3A_357 [1] : vector<16x16xf32> to vector<16xf32>
    %broadcast_in_dim3A_359 = vector.shape_cast %reduce_sum3A_358 : vector<16xf32> to vector<16x1xf32>
    %div3A_360 = vector.broadcast %broadcast_in_dim3A_359 : vector<16x1xf32> to vector<16x16xf32>
    %div3A_361 = arith.divf %exp3A_356, %div3A_360 : vector<16x16xf32>
    %broadcast_in_dim3A_362 = vector.shape_cast %div3A_361 : vector<16x16xf32> to vector<16x16x1xf32>
    %mul3A_363 = vector.broadcast %broadcast_in_dim3A_362 : vector<16x16x1xf32> to vector<16x16x32xf32>
    %mul3A_364 = arith.mulf %mul3A_363, %slice3A_342 : vector<16x16x32xf32>
    %reduce_sum3A_365 = arith.constant dense<0.000000e+00> : vector<16x32xf32>
    %reduce_sum3A_366 = vector.multi_reduction <add>, %mul3A_364, %reduce_sum3A_365 [1] : vector<16x16x32xf32> to vector<16x32xf32>
    %slice3A_367 = vector.extract_strided_slice %mul3A_216 {offsets = [0, 160], sizes = [16, 32], strides = [1, 1]} : vector<16x256xf32> to vector<16x32xf32>
    %slice3A_368 = vector.extract_strided_slice %reshape3A_227 {offsets = [0, 0, 160], sizes = [16, 16, 32], strides = [1, 1, 1]} : vector<16x16x256xf32> to vector<16x16x32xf32>
    %slice3A_369 = vector.extract_strided_slice %reshape3A_238 {offsets = [0, 0, 160], sizes = [16, 16, 32], strides = [1, 1, 1]} : vector<16x16x256xf32> to vector<16x16x32xf32>
    %broadcast_in_dim3A_370 = vector.shape_cast %slice3A_367 : vector<16x32xf32> to vector<16x1x32xf32>
    %mul3A_371 = vector.broadcast %broadcast_in_dim3A_370 : vector<16x1x32xf32> to vector<16x16x32xf32>
    %mul3A_372 = arith.mulf %mul3A_371, %slice3A_368 : vector<16x16x32xf32>
    %reduce_sum3A_373 = arith.constant dense<0.000000e+00> : vector<16x16xf32>
    %reduce_sum3A_374 = vector.multi_reduction <add>, %mul3A_372, %reduce_sum3A_373 [2] : vector<16x16x32xf32> to vector<16x16xf32>
    %jit3A_375 = arith.constant -1.000000e+30 : f32
    %broadcast_in_dim3A_376 = vector.broadcast %jit3A_375 : f32 to vector<16x16xf32>
    %select_n3A_377 = arith.select %lt3A_6, %reduce_sum3A_374, %broadcast_in_dim3A_376 : vector<16x16xi1>, vector<16x16xf32>
    %reduce_max3A_378 = arith.constant dense<0xFF800000> : vector<16xf32>
    %reduce_max3A_379 = vector.multi_reduction <maximumf>, %select_n3A_377, %reduce_max3A_378 [1] : vector<16x16xf32> to vector<16xf32>
    %broadcast_in_dim3A_380 = vector.shape_cast %reduce_max3A_379 : vector<16xf32> to vector<16x1xf32>
    %sub3A_381 = vector.broadcast %broadcast_in_dim3A_380 : vector<16x1xf32> to vector<16x16xf32>
    %sub3A_382 = arith.subf %select_n3A_377, %sub3A_381 : vector<16x16xf32>
    %exp3A_383 = math.exp %sub3A_382 : vector<16x16xf32>
    %reduce_sum3A_384 = arith.constant dense<0.000000e+00> : vector<16xf32>
    %reduce_sum3A_385 = vector.multi_reduction <add>, %exp3A_383, %reduce_sum3A_384 [1] : vector<16x16xf32> to vector<16xf32>
    %broadcast_in_dim3A_386 = vector.shape_cast %reduce_sum3A_385 : vector<16xf32> to vector<16x1xf32>
    %div3A_387 = vector.broadcast %broadcast_in_dim3A_386 : vector<16x1xf32> to vector<16x16xf32>
    %div3A_388 = arith.divf %exp3A_383, %div3A_387 : vector<16x16xf32>
    %broadcast_in_dim3A_389 = vector.shape_cast %div3A_388 : vector<16x16xf32> to vector<16x16x1xf32>
    %mul3A_390 = vector.broadcast %broadcast_in_dim3A_389 : vector<16x16x1xf32> to vector<16x16x32xf32>
    %mul3A_391 = arith.mulf %mul3A_390, %slice3A_369 : vector<16x16x32xf32>
    %reduce_sum3A_392 = arith.constant dense<0.000000e+00> : vector<16x32xf32>
    %reduce_sum3A_393 = vector.multi_reduction <add>, %mul3A_391, %reduce_sum3A_392 [1] : vector<16x16x32xf32> to vector<16x32xf32>
    %slice3A_394 = vector.extract_strided_slice %mul3A_216 {offsets = [0, 192], sizes = [16, 32], strides = [1, 1]} : vector<16x256xf32> to vector<16x32xf32>
    %slice3A_395 = vector.extract_strided_slice %reshape3A_227 {offsets = [0, 0, 192], sizes = [16, 16, 32], strides = [1, 1, 1]} : vector<16x16x256xf32> to vector<16x16x32xf32>
    %slice3A_396 = vector.extract_strided_slice %reshape3A_238 {offsets = [0, 0, 192], sizes = [16, 16, 32], strides = [1, 1, 1]} : vector<16x16x256xf32> to vector<16x16x32xf32>
    %broadcast_in_dim3A_397 = vector.shape_cast %slice3A_394 : vector<16x32xf32> to vector<16x1x32xf32>
    %mul3A_398 = vector.broadcast %broadcast_in_dim3A_397 : vector<16x1x32xf32> to vector<16x16x32xf32>
    %mul3A_399 = arith.mulf %mul3A_398, %slice3A_395 : vector<16x16x32xf32>
    %reduce_sum3A_400 = arith.constant dense<0.000000e+00> : vector<16x16xf32>
    %reduce_sum3A_401 = vector.multi_reduction <add>, %mul3A_399, %reduce_sum3A_400 [2] : vector<16x16x32xf32> to vector<16x16xf32>
    %jit3A_402 = arith.constant -1.000000e+30 : f32
    %broadcast_in_dim3A_403 = vector.broadcast %jit3A_402 : f32 to vector<16x16xf32>
    %select_n3A_404 = arith.select %lt3A_6, %reduce_sum3A_401, %broadcast_in_dim3A_403 : vector<16x16xi1>, vector<16x16xf32>
    %reduce_max3A_405 = arith.constant dense<0xFF800000> : vector<16xf32>
    %reduce_max3A_406 = vector.multi_reduction <maximumf>, %select_n3A_404, %reduce_max3A_405 [1] : vector<16x16xf32> to vector<16xf32>
    %broadcast_in_dim3A_407 = vector.shape_cast %reduce_max3A_406 : vector<16xf32> to vector<16x1xf32>
    %sub3A_408 = vector.broadcast %broadcast_in_dim3A_407 : vector<16x1xf32> to vector<16x16xf32>
    %sub3A_409 = arith.subf %select_n3A_404, %sub3A_408 : vector<16x16xf32>
    %exp3A_410 = math.exp %sub3A_409 : vector<16x16xf32>
    %reduce_sum3A_411 = arith.constant dense<0.000000e+00> : vector<16xf32>
    %reduce_sum3A_412 = vector.multi_reduction <add>, %exp3A_410, %reduce_sum3A_411 [1] : vector<16x16xf32> to vector<16xf32>
    %broadcast_in_dim3A_413 = vector.shape_cast %reduce_sum3A_412 : vector<16xf32> to vector<16x1xf32>
    %div3A_414 = vector.broadcast %broadcast_in_dim3A_413 : vector<16x1xf32> to vector<16x16xf32>
    %div3A_415 = arith.divf %exp3A_410, %div3A_414 : vector<16x16xf32>
    %broadcast_in_dim3A_416 = vector.shape_cast %div3A_415 : vector<16x16xf32> to vector<16x16x1xf32>
    %mul3A_417 = vector.broadcast %broadcast_in_dim3A_416 : vector<16x16x1xf32> to vector<16x16x32xf32>
    %mul3A_418 = arith.mulf %mul3A_417, %slice3A_396 : vector<16x16x32xf32>
    %reduce_sum3A_419 = arith.constant dense<0.000000e+00> : vector<16x32xf32>
    %reduce_sum3A_420 = vector.multi_reduction <add>, %mul3A_418, %reduce_sum3A_419 [1] : vector<16x16x32xf32> to vector<16x32xf32>
    %slice3A_421 = vector.extract_strided_slice %mul3A_216 {offsets = [0, 224], sizes = [16, 32], strides = [1, 1]} : vector<16x256xf32> to vector<16x32xf32>
    %slice3A_422 = vector.extract_strided_slice %reshape3A_227 {offsets = [0, 0, 224], sizes = [16, 16, 32], strides = [1, 1, 1]} : vector<16x16x256xf32> to vector<16x16x32xf32>
    %slice3A_423 = vector.extract_strided_slice %reshape3A_238 {offsets = [0, 0, 224], sizes = [16, 16, 32], strides = [1, 1, 1]} : vector<16x16x256xf32> to vector<16x16x32xf32>
    %broadcast_in_dim3A_424 = vector.shape_cast %slice3A_421 : vector<16x32xf32> to vector<16x1x32xf32>
    %mul3A_425 = vector.broadcast %broadcast_in_dim3A_424 : vector<16x1x32xf32> to vector<16x16x32xf32>
    %mul3A_426 = arith.mulf %mul3A_425, %slice3A_422 : vector<16x16x32xf32>
    %reduce_sum3A_427 = arith.constant dense<0.000000e+00> : vector<16x16xf32>
    %reduce_sum3A_428 = vector.multi_reduction <add>, %mul3A_426, %reduce_sum3A_427 [2] : vector<16x16x32xf32> to vector<16x16xf32>
    %jit3A_429 = arith.constant -1.000000e+30 : f32
    %broadcast_in_dim3A_430 = vector.broadcast %jit3A_429 : f32 to vector<16x16xf32>
    %select_n3A_431 = arith.select %lt3A_6, %reduce_sum3A_428, %broadcast_in_dim3A_430 : vector<16x16xi1>, vector<16x16xf32>
    %reduce_max3A_432 = arith.constant dense<0xFF800000> : vector<16xf32>
    %reduce_max3A_433 = vector.multi_reduction <maximumf>, %select_n3A_431, %reduce_max3A_432 [1] : vector<16x16xf32> to vector<16xf32>
    %broadcast_in_dim3A_434 = vector.shape_cast %reduce_max3A_433 : vector<16xf32> to vector<16x1xf32>
    %sub3A_435 = vector.broadcast %broadcast_in_dim3A_434 : vector<16x1xf32> to vector<16x16xf32>
    %sub3A_436 = arith.subf %select_n3A_431, %sub3A_435 : vector<16x16xf32>
    %exp3A_437 = math.exp %sub3A_436 : vector<16x16xf32>
    %reduce_sum3A_438 = arith.constant dense<0.000000e+00> : vector<16xf32>
    %reduce_sum3A_439 = vector.multi_reduction <add>, %exp3A_437, %reduce_sum3A_438 [1] : vector<16x16xf32> to vector<16xf32>
    %broadcast_in_dim3A_440 = vector.shape_cast %reduce_sum3A_439 : vector<16xf32> to vector<16x1xf32>
    %div3A_441 = vector.broadcast %broadcast_in_dim3A_440 : vector<16x1xf32> to vector<16x16xf32>
    %div3A_442 = arith.divf %exp3A_437, %div3A_441 : vector<16x16xf32>
    %broadcast_in_dim3A_443 = vector.shape_cast %div3A_442 : vector<16x16xf32> to vector<16x16x1xf32>
    %mul3A_444 = vector.broadcast %broadcast_in_dim3A_443 : vector<16x16x1xf32> to vector<16x16x32xf32>
    %mul3A_445 = arith.mulf %mul3A_444, %slice3A_423 : vector<16x16x32xf32>
    %reduce_sum3A_446 = arith.constant dense<0.000000e+00> : vector<16x32xf32>
    %reduce_sum3A_447 = vector.multi_reduction <add>, %mul3A_445, %reduce_sum3A_446 [1] : vector<16x16x32xf32> to vector<16x32xf32>
    %concatenate3A_448 = tpu.concatenate %reduce_sum3A_258, %reduce_sum3A_285, %reduce_sum3A_312, %reduce_sum3A_339, %reduce_sum3A_366, %reduce_sum3A_393, %reduce_sum3A_420, %reduce_sum3A_447 in 1 : vector<16x32xf32>, vector<16x32xf32>, vector<16x32xf32>, vector<16x32xf32>, vector<16x32xf32>, vector<16x32xf32>, vector<16x32xf32>, vector<16x32xf32> -> vector<16x256xf32>
    %get3A_449 = arith.constant 0 : index
    %get3A_450 = arith.constant 0 : index
    %get3A_451 = vector.load %arg16[%get3A_449, %get3A_450] : memref<256x256xf32, #tpu.memory_space<vmem>>, vector<256x256xf32>
    %dot_general3A_452 = arith.constant dense<0.000000e+00> : vector<16x256xf32>
    %dot_general3A_453 = tpu.matmul %concatenate3A_448, %get3A_451, %dot_general3A_452 {dimension_numbers = #tpu.dot_dimension_numbers<[1], [0], [0], [1], [0, 0, 1, 1], [], []>, transpose_lhs_hint = false} : vector<16x256xf32>, vector<256x256xf32>, vector<16x256xf32> -> vector<16x256xf32>
    %get3A_454 = arith.constant 0 : index
    %get3A_455 = arith.constant 0 : index
    %get3A_456 = vector.load %arg17[%get3A_454, %get3A_455] : memref<1x256xf32, #tpu.memory_space<vmem>>, vector<1x256xf32>
    %add3A_457 = vector.broadcast %get3A_456 : vector<1x256xf32> to vector<16x256xf32>
    %add3A_458 = arith.addf %dot_general3A_453, %add3A_457 : vector<16x256xf32>
    %concatenate3A_459 = tpu.concatenate %get3A_1, %add3A_458 in 1 : vector<16x128xf32>, vector<16x256xf32> -> vector<16x384xf32>
    %broadcast_in_dim3A_460 = vector.shape_cast %concatenate3A_459 : vector<16x384xf32> to vector<16x1x384xf32>
    %broadcast_in_dim3A_461 = vector.shape_cast %broadcast_in_dim3A_460 : vector<16x1x384xf32> to vector<16x1x384xf32>
    %broadcast_in_dim3A_462 = vector.broadcast %broadcast_in_dim3A_461 : vector<16x1x384xf32> to vector<16x40x384xf32>
    %swap3A = arith.constant 0 : index
    %swap3A_463 = arith.constant 0 : index
    %swap3A_464 = arith.constant 0 : index
    %swap3A_465 = vector.load %arg18[%swap3A, %swap3A_463, %swap3A_464] : memref<16x40x384xf32, #tpu.memory_space<vmem>>, vector<16x40x384xf32>
    tpu.vector_store %arg18[%swap3A, %swap3A_463, %swap3A_464], %broadcast_in_dim3A_462 {strides = array<i32>} : memref<16x40x384xf32, #tpu.memory_space<vmem>>, vector<16x40x384xf32>,
    return
  }
}

module attributes {stable_mosaic.version = 14 : i64} {
  func.func @_policy_body(%arg0: i32, %arg1: memref<1x256x128xf32, #tpu.memory_space<vmem>>, %arg2: memref<1x1x128xf32, #tpu.memory_space<vmem>>, %arg3: memref<1x256x17xi32, #tpu.memory_space<vmem>>, %arg4: memref<1x256x17xi32, #tpu.memory_space<vmem>>, %arg5: memref<1x256x1xf32, #tpu.memory_space<vmem>>, %arg6: memref<128x256xf32, #tpu.memory_space<vmem>>, %arg7: memref<128x256xf32, #tpu.memory_space<vmem>>, %arg8: memref<128x512xf32, #tpu.memory_space<vmem>>, %arg9: memref<2x256xf32, #tpu.memory_space<vmem>>, %arg10: memref<1x256xf32, #tpu.memory_space<vmem>>, %arg11: memref<256x256xf32, #tpu.memory_space<vmem>>, %arg12: memref<1x256xf32, #tpu.memory_space<vmem>>, %arg13: memref<1x256xf32, #tpu.memory_space<vmem>>, %arg14: memref<128x256xf32, #tpu.memory_space<vmem>>, %arg15: memref<1x256xf32, #tpu.memory_space<vmem>>, %arg16: memref<256x256xf32, #tpu.memory_space<vmem>>, %arg17: memref<1x256xf32, #tpu.memory_space<vmem>>, %arg18: memref<1x256xf32, #tpu.memory_space<vmem>>, %arg19: memref<1x17xf32, #tpu.memory_space<vmem>>, %arg20: memref<1x256x17xf32, #tpu.memory_space<vmem>>) attributes {dimension_semantics = [#tpu.dimension_semantics<arbitrary>], iteration_bounds = array<i64: 16>, scalar_prefetch = 0 : i64, scratch_operands = 0 : i64, tpu.core_type = #tpu.core_type<tc>, window_params = [{transform_indices = @transform_0, window_bounds = array<i64: 1, 256, 128>}, {transform_indices = @transform_1, window_bounds = array<i64: 1, 1, 128>}, {transform_indices = @transform_2, window_bounds = array<i64: 1, 256, 17>}, {transform_indices = @transform_3, window_bounds = array<i64: 1, 256, 17>}, {transform_indices = @transform_4, window_bounds = array<i64: 1, 256, 1>}, {pipeline_mode = #tpu.pipeline_mode<synchronous>, transform_indices = @transform_5, window_bounds = array<i64: 128, 256>}, {pipeline_mode = #tpu.pipeline_mode<synchronous>, transform_indices = @transform_6, window_bounds = array<i64: 128, 256>}, {pipeline_mode = #tpu.pipeline_mode<synchronous>, transform_indices = @transform_7, window_bounds = array<i64: 128, 512>}, {pipeline_mode = #tpu.pipeline_mode<synchronous>, transform_indices = @transform_8, window_bounds = array<i64: 2, 256>}, {pipeline_mode = #tpu.pipeline_mode<synchronous>, transform_indices = @transform_9, window_bounds = array<i64: 1, 256>}, {pipeline_mode = #tpu.pipeline_mode<synchronous>, transform_indices = @transform_10, window_bounds = array<i64: 256, 256>}, {pipeline_mode = #tpu.pipeline_mode<synchronous>, transform_indices = @transform_11, window_bounds = array<i64: 1, 256>}, {pipeline_mode = #tpu.pipeline_mode<synchronous>, transform_indices = @transform_12, window_bounds = array<i64: 1, 256>}, {pipeline_mode = #tpu.pipeline_mode<synchronous>, transform_indices = @transform_13, window_bounds = array<i64: 128, 256>}, {pipeline_mode = #tpu.pipeline_mode<synchronous>, transform_indices = @transform_14, window_bounds = array<i64: 1, 256>}, {pipeline_mode = #tpu.pipeline_mode<synchronous>, transform_indices = @transform_15, window_bounds = array<i64: 256, 256>}, {pipeline_mode = #tpu.pipeline_mode<synchronous>, transform_indices = @transform_16, window_bounds = array<i64: 1, 256>}, {pipeline_mode = #tpu.pipeline_mode<synchronous>, transform_indices = @transform_17, window_bounds = array<i64: 1, 256>}, {pipeline_mode = #tpu.pipeline_mode<synchronous>, transform_indices = @transform_18, window_bounds = array<i64: 1, 17>}, {transform_indices = @transform_19, window_bounds = array<i64: 1, 256, 17>}]} {
    %get3A = arith.constant 0 : index
    %get3A_0 = arith.constant 0 : index
    %get3A_1 = arith.constant 0 : index
    %get3A_2 = vector.load %arg1[%get3A, %get3A_0, %get3A_1] : memref<1x256x128xf32, #tpu.memory_space<vmem>>, vector<1x256x128xf32>
    %get3A_3 = vector.shape_cast %get3A_2 : vector<1x256x128xf32> to vector<256x128xf32>
    %get3A_4 = arith.constant 0 : index
    %get3A_5 = arith.constant 0 : index
    %get3A_6 = arith.constant 0 : index
    %get3A_7 = vector.load %arg2[%get3A_4, %get3A_5, %get3A_6] : memref<1x1x128xf32, #tpu.memory_space<vmem>>, vector<1x1x128xf32>
    %get3A_8 = vector.shape_cast %get3A_7 : vector<1x1x128xf32> to vector<1x128xf32>
    %get3A_9 = arith.constant 0 : index
    %get3A_10 = arith.constant 0 : index
    %get3A_11 = arith.constant 0 : index
    %get3A_12 = vector.load %arg3[%get3A_9, %get3A_10, %get3A_11] : memref<1x256x17xi32, #tpu.memory_space<vmem>>, vector<1x256x17xi32>
    %get3A_13 = vector.shape_cast %get3A_12 : vector<1x256x17xi32> to vector<256x17xi32>
    %get3A_14 = arith.constant 0 : index
    %get3A_15 = arith.constant 0 : index
    %get3A_16 = arith.constant 0 : index
    %get3A_17 = vector.load %arg4[%get3A_14, %get3A_15, %get3A_16] : memref<1x256x17xi32, #tpu.memory_space<vmem>>, vector<1x256x17xi32>
    %get3A_18 = vector.shape_cast %get3A_17 : vector<1x256x17xi32> to vector<256x17xi32>
    %get3A_19 = arith.constant 0 : index
    %get3A_20 = arith.constant 0 : index
    %get3A_21 = arith.constant 0 : index
    %get3A_22 = vector.load %arg5[%get3A_19, %get3A_20, %get3A_21] : memref<1x256x1xf32, #tpu.memory_space<vmem>>, vector<1x256x1xf32>
    %get3A_23 = vector.shape_cast %get3A_22 : vector<1x256x1xf32> to vector<256x1xf32>
    %get3A_24 = arith.constant 0 : index
    %get3A_25 = arith.constant 0 : index
    %get3A_26 = vector.load %arg6[%get3A_24, %get3A_25] : memref<128x256xf32, #tpu.memory_space<vmem>>, vector<128x256xf32>
    %dot_general3A = arith.constant dense<0.000000e+00> : vector<1x256xf32>
    %dot_general3A_27 = tpu.matmul %get3A_8, %get3A_26, %dot_general3A {dimension_numbers = #tpu.dot_dimension_numbers<[1], [0], [0], [1], [0, 0, 1, 1], [], []>, transpose_lhs_hint = false} : vector<1x128xf32>, vector<128x256xf32>, vector<1x256xf32> -> vector<1x256xf32>
    %get3A_28 = arith.constant 0 : index
    %get3A_29 = arith.constant 0 : index
    %get3A_30 = vector.load %arg7[%get3A_28, %get3A_29] : memref<128x256xf32, #tpu.memory_space<vmem>>, vector<128x256xf32>
    %dot_general3A_31 = arith.constant dense<0.000000e+00> : vector<256x256xf32>
    %dot_general3A_32 = tpu.matmul %get3A_3, %get3A_30, %dot_general3A_31 {dimension_numbers = #tpu.dot_dimension_numbers<[1], [0], [0], [1], [0, 0, 1, 1], [], []>, transpose_lhs_hint = false} : vector<256x128xf32>, vector<128x256xf32>, vector<256x256xf32> -> vector<256x256xf32>
    %convert_element_type3A = arith.truncf %dot_general3A_32 : vector<256x256xf32> to vector<256x256xbf16>
    %get3A_33 = arith.constant 0 : index
    %get3A_34 = arith.constant 0 : index
    %get3A_35 = vector.load %arg9[%get3A_33, %get3A_34] : memref<2x256xf32, #tpu.memory_space<vmem>>, vector<2x256xf32>
    %convert_element_type3A_36 = arith.truncf %get3A_35 : vector<2x256xf32> to vector<2x256xbf16>
    %get3A_37 = arith.constant 0 : index
    %get3A_38 = arith.constant 0 : index
    %get3A_39 = vector.load %arg10[%get3A_37, %get3A_38] : memref<1x256xf32, #tpu.memory_space<vmem>>, vector<1x256xf32>
    %add3A = arith.addf %dot_general3A_27, %get3A_39 : vector<1x256xf32>
    %get3A_40 = arith.constant 0 : index
    %get3A_41 = arith.constant 0 : index
    %get3A_42 = vector.load %arg14[%get3A_40, %get3A_41] : memref<128x256xf32, #tpu.memory_space<vmem>>, vector<128x256xf32>
    %dot_general3A_43 = arith.constant dense<0.000000e+00> : vector<1x256xf32>
    %dot_general3A_44 = tpu.matmul %get3A_8, %get3A_42, %dot_general3A_43 {dimension_numbers = #tpu.dot_dimension_numbers<[1], [0], [0], [1], [0, 0, 1, 1], [], []>, transpose_lhs_hint = false} : vector<1x128xf32>, vector<128x256xf32>, vector<1x256xf32> -> vector<1x256xf32>
    %get3A_45 = arith.constant 0 : index
    %get3A_46 = arith.constant 0 : index
    %get3A_47 = vector.load %arg15[%get3A_45, %get3A_46] : memref<1x256xf32, #tpu.memory_space<vmem>>, vector<1x256xf32>
    %add3A_48 = arith.addf %dot_general3A_44, %get3A_47 : vector<1x256xf32>
    %get3A_49 = arith.constant 0 : index
    %get3A_50 = arith.constant 0 : index
    %get3A_51 = vector.load %arg11[%get3A_49, %get3A_50] : memref<256x256xf32, #tpu.memory_space<vmem>>, vector<256x256xf32>
    %convert_element_type3A_52 = arith.truncf %get3A_51 : vector<256x256xf32> to vector<256x256xbf16>
    %get3A_53 = arith.constant 0 : index
    %get3A_54 = arith.constant 0 : index
    %get3A_55 = vector.load %arg13[%get3A_53, %get3A_54] : memref<1x256xf32, #tpu.memory_space<vmem>>, vector<1x256xf32>
    %convert_element_type3A_56 = arith.truncf %get3A_55 : vector<1x256xf32> to vector<1x256xbf16>
    %get3A_57 = arith.constant 0 : index
    %get3A_58 = arith.constant 0 : index
    %get3A_59 = vector.load %arg8[%get3A_57, %get3A_58] : memref<128x512xf32, #tpu.memory_space<vmem>>, vector<128x512xf32>
    %dot_general3A_60 = arith.constant dense<0.000000e+00> : vector<256x512xf32>
    %dot_general3A_61 = tpu.matmul %get3A_3, %get3A_59, %dot_general3A_60 {dimension_numbers = #tpu.dot_dimension_numbers<[1], [0], [0], [1], [0, 0, 1, 1], [], []>, transpose_lhs_hint = false} : vector<256x128xf32>, vector<128x512xf32>, vector<256x512xf32> -> vector<256x512xf32>
    %slice3A = vector.extract_strided_slice %get3A_13 {offsets = [0, 0], sizes = [256, 16], strides = [1, 1]} : vector<256x17xi32> to vector<256x16xi32>
    %slice3A_62 = vector.extract_strided_slice %get3A_18 {offsets = [0, 0], sizes = [256, 16], strides = [1, 1]} : vector<256x17xi32> to vector<256x16xi32>
    %iota3A = tpu.iota {dimensions = array<i32: 2>} : vector<256x16x256xi32>
    %broadcast_in_dim3A = vector.shape_cast %slice3A : vector<256x16xi32> to vector<256x16x1xi32>
    %eq3A = vector.broadcast %broadcast_in_dim3A : vector<256x16x1xi32> to vector<256x16x256xi32>
    %eq3A_63 = arith.cmpi eq, %eq3A, %iota3A : vector<256x16x256xi32>
    %convert_element_type3A_64 = arith.extui %eq3A_63 : vector<256x16x256xi1> to vector<256x16x256xi32>
    %convert_element_type3A_65 = arith.sitofp %convert_element_type3A_64 : vector<256x16x256xi32> to vector<256x16x256xf32>
    %convert_element_type3A_66 = arith.truncf %convert_element_type3A_65 : vector<256x16x256xf32> to vector<256x16x256xbf16>
    %reshape3A = vector.shape_cast %convert_element_type3A_66 : vector<256x16x256xbf16> to vector<4096x256xbf16>
    %dot_general3A_67 = arith.constant dense<0.000000e+00> : vector<4096x256xf32>
    %dot_general3A_68 = tpu.matmul %reshape3A, %convert_element_type3A, %dot_general3A_67 {dimension_numbers = #tpu.dot_dimension_numbers<[1], [0], [0], [1], [0, 0, 1, 1], [], []>, transpose_lhs_hint = false} : vector<4096x256xbf16>, vector<256x256xbf16>, vector<4096x256xf32> -> vector<4096x256xf32>
    %convert_element_type3A_69 = arith.truncf %dot_general3A_68 : vector<4096x256xf32> to vector<4096x256xbf16>
    %eq3A_70 = arith.constant 1 : i32
    %eq3A_71 = vector.broadcast %eq3A_70 : i32 to vector<256x16xi32>
    %eq3A_72 = arith.cmpi eq, %slice3A_62, %eq3A_71 : vector<256x16xi32>
    %convert_element_type3A_73 = arith.extui %eq3A_72 : vector<256x16xi1> to vector<256x16xi32>
    %convert_element_type3A_74 = arith.sitofp %convert_element_type3A_73 : vector<256x16xi32> to vector<256x16xf32>
    %eq3A_75 = arith.constant 2 : i32
    %eq3A_76 = vector.broadcast %eq3A_75 : i32 to vector<256x16xi32>
    %eq3A_77 = arith.cmpi eq, %slice3A_62, %eq3A_76 : vector<256x16xi32>
    %convert_element_type3A_78 = arith.extui %eq3A_77 : vector<256x16xi1> to vector<256x16xi32>
    %convert_element_type3A_79 = arith.sitofp %convert_element_type3A_78 : vector<256x16xi32> to vector<256x16xf32>
    %eq3A_80 = arith.constant 1 : i32
    %eq3A_81 = vector.broadcast %eq3A_80 : i32 to vector<256x16xi32>
    %eq3A_82 = arith.cmpi eq, %slice3A_62, %eq3A_81 : vector<256x16xi32>
    %convert_element_type3A_83 = arith.extui %eq3A_82 : vector<256x16xi1> to vector<256x16xi32>
    %convert_element_type3A_84 = arith.sitofp %convert_element_type3A_83 : vector<256x16xi32> to vector<256x16xf32>
    %convert_element_type3A_85 = arith.truncf %convert_element_type3A_84 : vector<256x16xf32> to vector<256x16xbf16>
    %broadcast_in_dim3A_86 = vector.shape_cast %convert_element_type3A_85 : vector<256x16xbf16> to vector<256x16x1xbf16>
    %eq3A_87 = arith.constant 2 : i32
    %eq3A_88 = vector.broadcast %eq3A_87 : i32 to vector<256x16xi32>
    %eq3A_89 = arith.cmpi eq, %slice3A_62, %eq3A_88 : vector<256x16xi32>
    %convert_element_type3A_90 = arith.extui %eq3A_89 : vector<256x16xi1> to vector<256x16xi32>
    %convert_element_type3A_91 = arith.sitofp %convert_element_type3A_90 : vector<256x16xi32> to vector<256x16xf32>
    %convert_element_type3A_92 = arith.truncf %convert_element_type3A_91 : vector<256x16xf32> to vector<256x16xbf16>
    %broadcast_in_dim3A_93 = vector.shape_cast %convert_element_type3A_92 : vector<256x16xbf16> to vector<256x16x1xbf16>
    %slice3A_94 = vector.extract_strided_slice %convert_element_type3A_36 {offsets = [0, 0], sizes = [1, 256], strides = [1, 1]} : vector<2x256xbf16> to vector<1x256xbf16>
    %broadcast_in_dim3A_95 = vector.shape_cast %slice3A_94 : vector<1x256xbf16> to vector<1x1x256xbf16>
    %mul3A = vector.broadcast %broadcast_in_dim3A_86 : vector<256x16x1xbf16> to vector<256x16x256xbf16>
    %mul3A_96 = vector.broadcast %broadcast_in_dim3A_95 : vector<1x1x256xbf16> to vector<256x16x256xbf16>
    %mul3A_97 = arith.mulf %mul3A, %mul3A_96 : vector<256x16x256xbf16>
    %slice3A_98 = vector.extract_strided_slice %convert_element_type3A_36 {offsets = [1, 0], sizes = [1, 256], strides = [1, 1]} : vector<2x256xbf16> to vector<1x256xbf16>
    %broadcast_in_dim3A_99 = vector.shape_cast %slice3A_98 : vector<1x256xbf16> to vector<1x1x256xbf16>
    %mul3A_100 = vector.broadcast %broadcast_in_dim3A_93 : vector<256x16x1xbf16> to vector<256x16x256xbf16>
    %mul3A_101 = vector.broadcast %broadcast_in_dim3A_99 : vector<1x1x256xbf16> to vector<256x16x256xbf16>
    %mul3A_102 = arith.mulf %mul3A_100, %mul3A_101 : vector<256x16x256xbf16>
    %add3A_103 = arith.addf %mul3A_97, %mul3A_102 : vector<256x16x256xbf16>
    %slice3A_104 = vector.extract_strided_slice %dot_general3A_61 {offsets = [0, 0], sizes = [256, 256], strides = [1, 1]} : vector<256x512xf32> to vector<256x256xf32>
    %add3A_105 = vector.broadcast %add3A : vector<1x256xf32> to vector<256x256xf32>
    %add3A_106 = arith.addf %slice3A_104, %add3A_105 : vector<256x256xf32>
    %convert_element_type3A_107 = arith.truncf %add3A_106 : vector<256x256xf32> to vector<256x256xbf16>
    %reshape3A_108 = vector.shape_cast %convert_element_type3A_69 : vector<4096x256xbf16> to vector<256x16x256xbf16>
    %broadcast_in_dim3A_109 = vector.shape_cast %convert_element_type3A_107 : vector<256x256xbf16> to vector<256x1x256xbf16>
    %add3A_110 = vector.broadcast %broadcast_in_dim3A_109 : vector<256x1x256xbf16> to vector<256x16x256xbf16>
    %add3A_111 = arith.addf %reshape3A_108, %add3A_110 : vector<256x16x256xbf16>
    %add3A_112 = arith.addf %add3A_111, %add3A_103 : vector<256x16x256xbf16>
    %jit3A = arith.constant 0.00999999977 : f32
    %ge3A = arith.constant 0.000000e+00 : bf16
    %ge3A_113 = vector.broadcast %ge3A : bf16 to vector<256x16x256xbf16>
    %ge3A_114 = arith.cmpf oge, %add3A_112, %ge3A_113 : vector<256x16x256xbf16>
    %convert_element_type3A_115 = arith.truncf %jit3A : f32 to bf16
    %mul3A_116 = vector.broadcast %convert_element_type3A_115 : bf16 to vector<256x16x256xbf16>
    %mul3A_117 = arith.mulf %mul3A_116, %add3A_112 : vector<256x16x256xbf16>
    %select_n3A = arith.select %ge3A_114, %add3A_112, %mul3A_117 : vector<256x16x256xi1>, vector<256x16x256xbf16>
    %reshape3A_118 = vector.shape_cast %select_n3A : vector<256x16x256xbf16> to vector<4096x256xbf16>
    %dot_general3A_119 = arith.constant dense<0.000000e+00> : vector<4096x256xf32>
    %dot_general3A_120 = tpu.matmul %reshape3A_118, %convert_element_type3A_52, %dot_general3A_119 {dimension_numbers = #tpu.dot_dimension_numbers<[1], [0], [0], [1], [0, 0, 1, 1], [], []>, transpose_lhs_hint = false} : vector<4096x256xbf16>, vector<256x256xbf16>, vector<4096x256xf32> -> vector<4096x256xf32>
    %convert_element_type3A_121 = arith.truncf %dot_general3A_120 : vector<4096x256xf32> to vector<4096x256xbf16>
    %get3A_122 = arith.constant 0 : index
    %get3A_123 = arith.constant 0 : index
    %get3A_124 = vector.load %arg12[%get3A_122, %get3A_123] : memref<1x256xf32, #tpu.memory_space<vmem>>, vector<1x256xf32>
    %convert_element_type3A_125 = arith.truncf %get3A_124 : vector<1x256xf32> to vector<1x256xbf16>
    %add3A_126 = vector.broadcast %convert_element_type3A_125 : vector<1x256xbf16> to vector<4096x256xbf16>
    %add3A_127 = arith.addf %convert_element_type3A_121, %add3A_126 : vector<4096x256xbf16>
    %jit3A_128 = arith.constant 0.00999999977 : f32
    %ge3A_129 = arith.constant 0.000000e+00 : bf16
    %ge3A_130 = vector.broadcast %ge3A_129 : bf16 to vector<4096x256xbf16>
    %ge3A_131 = arith.cmpf oge, %add3A_127, %ge3A_130 : vector<4096x256xbf16>
    %convert_element_type3A_132 = arith.truncf %jit3A_128 : f32 to bf16
    %mul3A_133 = vector.broadcast %convert_element_type3A_132 : bf16 to vector<4096x256xbf16>
    %mul3A_134 = arith.mulf %mul3A_133, %add3A_127 : vector<4096x256xbf16>
    %select_n3A_135 = arith.select %ge3A_131, %add3A_127, %mul3A_134 : vector<4096x256xi1>, vector<4096x256xbf16>
    %reshape3A_136 = vector.shape_cast %select_n3A_135 : vector<4096x256xbf16> to vector<256x16x256xbf16>
    %broadcast_in_dim3A_137 = vector.shape_cast %convert_element_type3A_56 : vector<1x256xbf16> to vector<1x1x256xbf16>
    %mul3A_138 = vector.broadcast %broadcast_in_dim3A_137 : vector<1x1x256xbf16> to vector<256x16x256xbf16>
    %mul3A_139 = arith.mulf %reshape3A_136, %mul3A_138 : vector<256x16x256xbf16>
    %convert_element_type3A_140 = arith.extf %mul3A_139 : vector<256x16x256xbf16> to vector<256x16x256xf32>
    %reduce_sum3A = arith.constant dense<0.000000e+00> : vector<256x16xf32>
    %reduce_sum3A_141 = vector.multi_reduction <add>, %convert_element_type3A_140, %reduce_sum3A [2] : vector<256x16x256xf32> to vector<256x16xf32>
    %add3A_142 = arith.addf %convert_element_type3A_74, %convert_element_type3A_79 : vector<256x16xf32>
    %gt3A = arith.constant 0.000000e+00 : f32
    %gt3A_143 = vector.broadcast %gt3A : f32 to vector<256x16xf32>
    %gt3A_144 = arith.cmpf ogt, %add3A_142, %gt3A_143 : vector<256x16xf32>
    %jit3A_145 = arith.constant 0.000000e+00 : f32
    %broadcast_in_dim3A_146 = vector.broadcast %jit3A_145 : f32 to vector<256x16xf32>
    %select_n3A_147 = arith.select %gt3A_144, %reduce_sum3A_141, %broadcast_in_dim3A_146 : vector<256x16xi1>, vector<256x16xf32>
    %slice3A_148 = vector.extract_strided_slice %dot_general3A_61 {offsets = [0, 256], sizes = [256, 256], strides = [1, 1]} : vector<256x512xf32> to vector<256x256xf32>
    %add3A_149 = vector.broadcast %add3A_48 : vector<1x256xf32> to vector<256x256xf32>
    %add3A_150 = arith.addf %slice3A_148, %add3A_149 : vector<256x256xf32>
    %jit3A_151 = arith.constant 0.00999999977 : f32
    %ge3A_152 = arith.constant 0.000000e+00 : f32
    %ge3A_153 = vector.broadcast %ge3A_152 : f32 to vector<256x256xf32>
    %ge3A_154 = arith.cmpf oge, %add3A_150, %ge3A_153 : vector<256x256xf32>
    %mul3A_155 = vector.broadcast %jit3A_151 : f32 to vector<256x256xf32>
    %mul3A_156 = arith.mulf %mul3A_155, %add3A_150 : vector<256x256xf32>
    %select_n3A_157 = arith.select %ge3A_154, %add3A_150, %mul3A_156 : vector<256x256xi1>, vector<256x256xf32>
    %get3A_158 = arith.constant 0 : index
    %get3A_159 = arith.constant 0 : index
    %get3A_160 = vector.load %arg16[%get3A_158, %get3A_159] : memref<256x256xf32, #tpu.memory_space<vmem>>, vector<256x256xf32>
    %dot_general3A_161 = arith.constant dense<0.000000e+00> : vector<256x256xf32>
    %dot_general3A_162 = tpu.matmul %select_n3A_157, %get3A_160, %dot_general3A_161 {dimension_numbers = #tpu.dot_dimension_numbers<[1], [0], [0], [1], [0, 0, 1, 1], [], []>, transpose_lhs_hint = false} : vector<256x256xf32>, vector<256x256xf32>, vector<256x256xf32> -> vector<256x256xf32>
    %get3A_163 = arith.constant 0 : index
    %get3A_164 = arith.constant 0 : index
    %get3A_165 = vector.load %arg17[%get3A_163, %get3A_164] : memref<1x256xf32, #tpu.memory_space<vmem>>, vector<1x256xf32>
    %add3A_166 = vector.broadcast %get3A_165 : vector<1x256xf32> to vector<256x256xf32>
    %add3A_167 = arith.addf %dot_general3A_162, %add3A_166 : vector<256x256xf32>
    %jit3A_168 = arith.constant 0.00999999977 : f32
    %ge3A_169 = arith.constant 0.000000e+00 : f32
    %ge3A_170 = vector.broadcast %ge3A_169 : f32 to vector<256x256xf32>
    %ge3A_171 = arith.cmpf oge, %add3A_167, %ge3A_170 : vector<256x256xf32>
    %mul3A_172 = vector.broadcast %jit3A_168 : f32 to vector<256x256xf32>
    %mul3A_173 = arith.mulf %mul3A_172, %add3A_167 : vector<256x256xf32>
    %select_n3A_174 = arith.select %ge3A_171, %add3A_167, %mul3A_173 : vector<256x256xi1>, vector<256x256xf32>
    %get3A_175 = arith.constant 0 : index
    %get3A_176 = arith.constant 0 : index
    %get3A_177 = vector.load %arg18[%get3A_175, %get3A_176] : memref<1x256xf32, #tpu.memory_space<vmem>>, vector<1x256xf32>
    %mul3A_178 = vector.broadcast %get3A_177 : vector<1x256xf32> to vector<256x256xf32>
    %mul3A_179 = arith.mulf %select_n3A_174, %mul3A_178 : vector<256x256xf32>
    %reduce_sum3A_180 = arith.constant dense<0.000000e+00> : vector<256xf32>
    %reduce_sum3A_181 = vector.multi_reduction <add>, %mul3A_179, %reduce_sum3A_180 [1] : vector<256x256xf32> to vector<256xf32>
    %broadcast_in_dim3A_182 = vector.shape_cast %reduce_sum3A_181 : vector<256xf32> to vector<256x1xf32>
    %eq3A_183 = arith.constant 0.000000e+00 : f32
    %eq3A_184 = vector.broadcast %eq3A_183 : f32 to vector<256x1xf32>
    %eq3A_185 = arith.cmpf oeq, %get3A_23, %eq3A_184 : vector<256x1xf32>
    %jit3A_186 = arith.constant 0.000000e+00 : f32
    %broadcast_in_dim3A_187 = vector.broadcast %jit3A_186 : f32 to vector<256x1xf32>
    %select_n3A_188 = arith.select %eq3A_185, %broadcast_in_dim3A_182, %broadcast_in_dim3A_187 : vector<256x1xi1>, vector<256x1xf32>
    %concatenate3A = tpu.concatenate %select_n3A_147, %select_n3A_188 in 1 : vector<256x16xf32>, vector<256x1xf32> -> vector<256x17xf32>
    %get3A_189 = arith.constant 0 : index
    %get3A_190 = arith.constant 0 : index
    %get3A_191 = vector.load %arg19[%get3A_189, %get3A_190] : memref<1x17xf32, #tpu.memory_space<vmem>>, vector<1x17xf32>
    %add3A_192 = vector.broadcast %get3A_191 : vector<1x17xf32> to vector<256x17xf32>
    %add3A_193 = arith.addf %concatenate3A, %add3A_192 : vector<256x17xf32>
    %ne3A = arith.constant 0 : i32
    %ne3A_194 = vector.broadcast %ne3A : i32 to vector<256x17xi32>
    %ne3A_195 = arith.cmpi ne, %get3A_18, %ne3A_194 : vector<256x17xi32>
    %jit3A_196 = arith.constant -1.000000e+30 : f32
    %broadcast_in_dim3A_197 = vector.broadcast %jit3A_196 : f32 to vector<256x17xf32>
    %select_n3A_198 = arith.select %ne3A_195, %add3A_193, %broadcast_in_dim3A_197 : vector<256x17xi1>, vector<256x17xf32>
    %reduce_max3A = arith.constant dense<0xFF800000> : vector<256xf32>
    %reduce_max3A_199 = vector.multi_reduction <maximumf>, %select_n3A_198, %reduce_max3A [1] : vector<256x17xf32> to vector<256xf32>
    %broadcast_in_dim3A_200 = vector.shape_cast %reduce_max3A_199 : vector<256xf32> to vector<256x1xf32>
    %sub3A = vector.broadcast %broadcast_in_dim3A_200 : vector<256x1xf32> to vector<256x17xf32>
    %sub3A_201 = arith.subf %select_n3A_198, %sub3A : vector<256x17xf32>
    %exp3A = math.exp %sub3A_201 : vector<256x17xf32>
    %reduce_sum3A_202 = arith.constant dense<0.000000e+00> : vector<256xf32>
    %reduce_sum3A_203 = vector.multi_reduction <add>, %exp3A, %reduce_sum3A_202 [1] : vector<256x17xf32> to vector<256xf32>
    %broadcast_in_dim3A_204 = vector.shape_cast %reduce_sum3A_203 : vector<256xf32> to vector<256x1xf32>
    %div3A = vector.broadcast %broadcast_in_dim3A_204 : vector<256x1xf32> to vector<256x17xf32>
    %div3A_205 = arith.divf %exp3A, %div3A : vector<256x17xf32>
    %add3A_206 = arith.constant 9.99999974E-6 : f32
    %add3A_207 = vector.broadcast %add3A_206 : f32 to vector<256x17xf32>
    %add3A_208 = arith.addf %div3A_205, %add3A_207 : vector<256x17xf32>
    %log3A = math.log %add3A_208 : vector<256x17xf32>
    %swap3A = arith.constant 0 : index
    %swap3A_209 = arith.constant 0 : index
    %swap3A_210 = arith.constant 0 : index
    %swap3A_211 = vector.load %arg20[%swap3A, %swap3A_209, %swap3A_210] : memref<1x256x17xf32, #tpu.memory_space<vmem>>, vector<1x256x17xf32>
    %swap3A_212 = vector.shape_cast %swap3A_211 : vector<1x256x17xf32> to vector<256x17xf32>
    %swap3A_213 = vector.shape_cast %log3A : vector<256x17xf32> to vector<1x256x17xf32>
    tpu.vector_store %arg20[%swap3A, %swap3A_209, %swap3A_210], %swap3A_213 {strides = array<i32>} : memref<1x256x17xf32, #tpu.memory_space<vmem>>, vector<1x256x17xf32>,
    return
  }
  func.func @transform_0(%arg0: i32) -> (i32, i32, i32) {
    %c0_i32 = arith.constant 0 : i32
    %c0_i32_0 = arith.constant 0 : i32
    %c0_i32_1 = arith.constant 0 : i32
    return %arg0, %c0_i32, %c0_i32_0 : i32, i32, i32
  }
  func.func @transform_1(%arg0: i32) -> (i32, i32, i32) {
    %c0_i32 = arith.constant 0 : i32
    %c0_i32_0 = arith.constant 0 : i32
    %c0_i32_1 = arith.constant 0 : i32
    return %arg0, %c0_i32, %c0_i32_0 : i32, i32, i32
  }
  func.func @transform_2(%arg0: i32) -> (i32, i32, i32) {
    %c0_i32 = arith.constant 0 : i32
    %c0_i32_0 = arith.constant 0 : i32
    %c0_i32_1 = arith.constant 0 : i32
    return %arg0, %c0_i32, %c0_i32_0 : i32, i32, i32
  }
  func.func @transform_3(%arg0: i32) -> (i32, i32, i32) {
    %c0_i32 = arith.constant 0 : i32
    %c0_i32_0 = arith.constant 0 : i32
    %c0_i32_1 = arith.constant 0 : i32
    return %arg0, %c0_i32, %c0_i32_0 : i32, i32, i32
  }
  func.func @transform_4(%arg0: i32) -> (i32, i32, i32) {
    %c0_i32 = arith.constant 0 : i32
    %c0_i32_0 = arith.constant 0 : i32
    %c0_i32_1 = arith.constant 0 : i32
    return %arg0, %c0_i32, %c0_i32_0 : i32, i32, i32
  }
  func.func @transform_5(%arg0: i32) -> (i32, i32) {
    %c0_i32 = arith.constant 0 : i32
    %c0_i32_0 = arith.constant 0 : i32
    %c0_i32_1 = arith.constant 0 : i32
    return %c0_i32, %c0_i32_0 : i32, i32
  }
  func.func @transform_6(%arg0: i32) -> (i32, i32) {
    %c0_i32 = arith.constant 0 : i32
    %c0_i32_0 = arith.constant 0 : i32
    %c0_i32_1 = arith.constant 0 : i32
    return %c0_i32, %c0_i32_0 : i32, i32
  }
  func.func @transform_7(%arg0: i32) -> (i32, i32) {
    %c0_i32 = arith.constant 0 : i32
    %c0_i32_0 = arith.constant 0 : i32
    %c0_i32_1 = arith.constant 0 : i32
    return %c0_i32, %c0_i32_0 : i32, i32
  }
  func.func @transform_8(%arg0: i32) -> (i32, i32) {
    %c0_i32 = arith.constant 0 : i32
    %c0_i32_0 = arith.constant 0 : i32
    %c0_i32_1 = arith.constant 0 : i32
    return %c0_i32, %c0_i32_0 : i32, i32
  }
  func.func @transform_9(%arg0: i32) -> (i32, i32) {
    %c0_i32 = arith.constant 0 : i32
    %c0_i32_0 = arith.constant 0 : i32
    %c0_i32_1 = arith.constant 0 : i32
    return %c0_i32, %c0_i32_0 : i32, i32
  }
  func.func @transform_10(%arg0: i32) -> (i32, i32) {
    %c0_i32 = arith.constant 0 : i32
    %c0_i32_0 = arith.constant 0 : i32
    %c0_i32_1 = arith.constant 0 : i32
    return %c0_i32, %c0_i32_0 : i32, i32
  }
  func.func @transform_11(%arg0: i32) -> (i32, i32) {
    %c0_i32 = arith.constant 0 : i32
    %c0_i32_0 = arith.constant 0 : i32
    %c0_i32_1 = arith.constant 0 : i32
    return %c0_i32, %c0_i32_0 : i32, i32
  }
  func.func @transform_12(%arg0: i32) -> (i32, i32) {
    %c0_i32 = arith.constant 0 : i32
    %c0_i32_0 = arith.constant 0 : i32
    %c0_i32_1 = arith.constant 0 : i32
    return %c0_i32, %c0_i32_0 : i32, i32
  }
  func.func @transform_13(%arg0: i32) -> (i32, i32) {
    %c0_i32 = arith.constant 0 : i32
    %c0_i32_0 = arith.constant 0 : i32
    %c0_i32_1 = arith.constant 0 : i32
    return %c0_i32, %c0_i32_0 : i32, i32
  }
  func.func @transform_14(%arg0: i32) -> (i32, i32) {
    %c0_i32 = arith.constant 0 : i32
    %c0_i32_0 = arith.constant 0 : i32
    %c0_i32_1 = arith.constant 0 : i32
    return %c0_i32, %c0_i32_0 : i32, i32
  }
  func.func @transform_15(%arg0: i32) -> (i32, i32) {
    %c0_i32 = arith.constant 0 : i32
    %c0_i32_0 = arith.constant 0 : i32
    %c0_i32_1 = arith.constant 0 : i32
    return %c0_i32, %c0_i32_0 : i32, i32
  }
  func.func @transform_16(%arg0: i32) -> (i32, i32) {
    %c0_i32 = arith.constant 0 : i32
    %c0_i32_0 = arith.constant 0 : i32
    %c0_i32_1 = arith.constant 0 : i32
    return %c0_i32, %c0_i32_0 : i32, i32
  }
  func.func @transform_17(%arg0: i32) -> (i32, i32) {
    %c0_i32 = arith.constant 0 : i32
    %c0_i32_0 = arith.constant 0 : i32
    %c0_i32_1 = arith.constant 0 : i32
    return %c0_i32, %c0_i32_0 : i32, i32
  }
  func.func @transform_18(%arg0: i32) -> (i32, i32) {
    %c0_i32 = arith.constant 0 : i32
    %c0_i32_0 = arith.constant 0 : i32
    %c0_i32_1 = arith.constant 0 : i32
    return %c0_i32, %c0_i32_0 : i32, i32
  }
  func.func @transform_19(%arg0: i32) -> (i32, i32, i32) {
    %c0_i32 = arith.constant 0 : i32
    %c0_i32_0 = arith.constant 0 : i32
    %c0_i32_1 = arith.constant 0 : i32
    return %arg0, %c0_i32, %c0_i32_0 : i32, i32, i32
  }
}

</mosaic_0001>

<sc_bundles>
// kernel: kernel.5.cloned.1.call-start
scs
__scs_entry_jumppad:
0x0: {  	(pc) =	sbr.rel $0x88, $3  }
0x1: {  	(tag) =	ssettag $0x0;
	lr =	simm.s32 $0x1  }
0x2: {  	[smem:$0x3F85] =	sst lr;
	_ =	strace $0xD0000000  }
0x3: {  	_ = 	snop  }
0x4: {  	_ = 	snop  }
0x5: {  	_ = 	snop  }
0x6: {  	_ = 	snop  }
0x7: {  	_ = 	snop  }
__scs_overlays_trampoline_lowered:
0x8: {  	[smem:$0x3F94] =	sst s0  }
0x9: {  	[smem:$0x3F95] =	sst s1  }
0xa: {  	[smem:$0x3F96] =	sst s2  }
0xb: {  	[smem:$0x3F97] =	sst s3  }
0xc: {  	[smem:$0x3F98] =	sst s4  }
0xd: {  	[smem:$0x3F99] =	sst s5  }
0xe: {  	[smem:$0x3F9A] =	sst s6  }
0xf: {  	[smem:$0x3F9B] =	sst s7  }
0x10: {  	[smem:$0x3F9C] =	sst s8  }
0x11: {  	[smem:$0x3F9D] =	sst s9;
	s0 =	simm.s32 @!p0 $0x0  }
0x12: {  	s1 =	sld [smem:$0x3F83];
	s0 =	simm.s32 @p0 $0x1  }
0x13: {  	[smem:$0x3F9E] =	sst s0;
	s0 =	simm.s32 @!p1 $0x0  }
0x14: {  	s2 =	sld [smem:$0x3F82];
	s0 =	simm.s32 @p1 $0x1  }
0x15: {  	[smem:$0x3F9F] =	sst s0;
	s0 =	simm.s32 @!p2 $0x0  }
0x16: {  	s3 =	sld [smem:$0x3FDB];
	s0 =	simm.s32 @p2 $0x1  }
0x17: {  	s4 =	simm.s32 $0x1BF5;
	[smem:$0x3FA1] =	sst s0  }
0x18: {  	s0 =	sld [smem:$0x3F84];
	_ =	swait.ge [sflag:s4], $0x0  }
0x19: {  	s7 =	sld [smem:$0x3F85]  }
0x1a: {  	s8 =	sadd.s32 $0xFFFFE003, lr  }
0x1b: {  	s9 =	sadd.s32 $0xFFFFFEF7, lr;
	s5 =	simm.s32 $0xFFFFFFFF;
	p2 =	slt.u32 s8, $0xFFFFF086  }
0x1c: {  	p1 =	slt.u32 s9, $0xF7A;
	s5 =	simm.s32 @!p2 $0x0  }
0x1d: {  	s5 =	simm.s32 @p1 $0x1;
	p0 =	seq.s32 s7, s2  }
0x1e: {  	s7 =	smul.u32 @!p0 $0xF7A, s2;
	p2 =	seq.s32 @!p0 s5, $0x0  }
0x1f: {  	s9 =	smul.u32 $0xF7A, s1;
	s8 =	simm.s32 @!p0 $0x1BF5;
	p2 =	por !p2, p0  }
0x20: {  	[sflag:s8] =	ssyncset.s32 @!p0 $0xFFFFF086;
	s6 =	sadd.s32 @!p0 s3, s7;
	s7 =	simm.s32 @!p0 $0x108  }
0x21: {  	s3 =	sadd.s32 s3, s9;
	s6 =	sadd.s32 @!p0 $0x88, s6;
	s7 =	simm.s32 @p2 $0x1082  }
0x22: {  	[simem:s7], [sflag:s8] =	dma.local @!p0 [hbm:s6], $0xF7A  }
0x23: {  	s9 =	sor.u32 $0xD0000000, s2;
	s6 =	simm.s32 $0x108;
	_ =	swait.ge @!p0 [sflag:s8], $0x0  }
0x24: {  	s3 =	sadd.s32 $0x88, s3;
	s6 =	simm.s32 @!p1 $0x1082;
	[sflag:s4] =	ssyncset.s32 $0xFFFFF086  }
0x25: {  	[simem:s6], [sflag:s4] =	dma.local [hbm:s3], $0xF7A  }
0x26: {  	[smem:$0x3F85] =	sst s1;
	(tag) =	ssettag s2;
	_ =	strace s9  }
0x27: {  	s1 =	sld [smem:$0x3F95]  }
0x28: {  	s2 =	sld [smem:$0x3F96]  }
0x29: {  	s4 =	sld [smem:$0x3F98]  }
0x2a: {  	p0 =	seq.s32 s5, $0x0;
	s5 =	sld [smem:$0x3F99]  }
0x2b: {  	s6 =	sld [smem:$0x3F9A]  }
0x2c: {  	s7 =	sld [smem:$0x3F9B]  }
0x2d: {  	s3 =	simm.s32 $0x108;
	s8 =	sld [smem:$0x3F9C]  }
0x2e: {  	s3 =	simm.s32 @!p0 $0x1082;
	s9 =	sld [smem:$0x3F9D]  }
0x2f: {  	lr =	sadd.s32 s0, s3;
	s0 =	sld [smem:$0x3F94]  }
0x30: {  	s3 =	sld [smem:$0x3F97]  }
0x31: {  	[smem:$0x3FA0] =	sst s10  }
0x32: {  	s10 =	sld [smem:$0x3F9E];
	_ =	sdelay $0x3  }
0x33: {  	p0 =	seq.s32 s10, $0x1;
	s10 =	sld [smem:$0x3FA0];
	_ =	sdelay $0x3  }
0x34: {  	[smem:$0x3FA0] =	sst s10  }
0x35: {  	s10 =	sld [smem:$0x3F9F];
	_ =	sdelay $0x3  }
0x36: {  	p1 =	seq.s32 s10, $0x1;
	s10 =	sld [smem:$0x3FA0];
	_ =	sdelay $0x3  }
0x37: {  	[smem:$0x3FA0] =	sst s10  }
0x38: {  	s10 =	sld [smem:$0x3FA1]  }
0x39: {  	_ = 	snop;
	(pc) =	sbr.ind lr, $3  }
0x3a: {  	_ = 	snop  }
0x3b: {  	_ = 	snop  }
0x3c: {  	p2 =	seq.s32 s10, $0x1;
	s10 =	sld [smem:$0x3FA0]  }
0x3d: {  	_ =	shalt  }
0x3e: {  	_ =	shalt  }
0x3f: {  	_ =	shalt  }
0x40: {  	_ =	shalt  }
0x41: {  	_ =	shalt  }
0x42: {  	_ =	shalt  }
0x43: {  	_ =	shalt  }
0x44: {  	_ =	shalt  }
0x45: {  	_ =	shalt  }
0x46: {  	_ =	shalt  }
0x47: {  	_ =	shalt  }
0x48: {  	_ =	shalt  }
0x49: {  	_ =	shalt  }
0x4a: {  	_ =	shalt  }
0x4b: {  	_ =	shalt  }
0x4c: {  	_ =	shalt  }
0x4d: {  	_ =	shalt  }
0x4e: {  	_ =	shalt  }
0x4f: {  	_ =	shalt  }
0x50: {  	_ =	shalt  }
0x51: {  	_ =	shalt  }
0x52: {  	_ =	shalt  }
0x53: {  	_ =	shalt  }
0x54: {  	_ =	shalt  }
0x55: {  	_ =	shalt  }
0x56: {  	_ =	shalt  }
0x57: {  	_ =	shalt  }
0x58: {  	_ =	shalt  }
0x59: {  	_ =	shalt  }
0x5a: {  	_ =	shalt  }
0x5b: {  	_ =	shalt  }
0x5c: {  	_ =	shalt  }
0x5d: {  	_ =	shalt  }
0x5e: {  	_ =	shalt  }
0x5f: {  	_ =	shalt  }
0x60: {  	_ =	shalt  }
0x61: {  	_ =	shalt  }
0x62: {  	_ =	shalt  }
0x63: {  	_ =	shalt  }
0x64: {  	_ =	shalt  }
0x65: {  	_ =	shalt  }
0x66: {  	_ =	shalt  }
0x67: {  	_ =	shalt  }
0x68: {  	_ =	shalt  }
0x69: {  	_ =	shalt  }
0x6a: {  	_ =	shalt  }
0x6b: {  	_ =	shalt  }
0x6c: {  	_ =	shalt  }
0x6d: {  	_ =	shalt  }
0x6e: {  	_ =	shalt  }
0x6f: {  	_ =	shalt  }
0x70: {  	_ =	shalt  }
0x71: {  	_ =	shalt  }
0x72: {  	_ =	shalt  }
0x73: {  	_ =	shalt  }
0x74: {  	_ =	shalt  }
0x75: {  	_ =	shalt  }
0x76: {  	_ =	shalt  }
0x77: {  	_ =	shalt  }
0x78: {  	_ =	shalt  }
0x79: {  	_ =	shalt  }
0x7a: {  	_ =	shalt  }
0x7b: {  	_ =	shalt  }
0x7c: {  	_ =	shalt  }
0x7d: {  	_ =	shalt  }
0x7e: {  	_ =	shalt  }
0x7f: {  	_ =	shalt  }
0x80: {  	_ =	shalt  }
0x81: {  	_ =	shalt  }
0x82: {  	_ =	shalt  }
0x83: {  	_ =	shalt  }
0x84: {  	_ =	shalt  }
0x85: {  	_ =	shalt  }
0x86: {  	_ =	shalt  }
0x87: {  	_ =	shalt  }
.Lfunc_end0:
.L_simem_size_0:
called_computation_lowered:
.L_overlay_start_0:
0x88: {  	s2 =	sld [smem:$0x3FD9]  }
0x89: {  	s3 =	sld [smem:$0x3FFE];
	_ =	sdelay $0x1  }
0x8a: {  	s1 =	srdreg.scid  }
0x8b: {  	s0 =	sand.u32 $0x1, s1  }
0x8c: {  	s14 =	sshll.u32 s0, $0xA;
	s2 =	sadd.s32 s3, s2  }
0x8d: {  	s2 =	sadd.s32 s2, s14  }
0x8e: {  	[smem:$0x3FAC] =	sst s2  }
0x8f: {  	_ = 	snop  }
0x90: {  	s2 =	sld [smem:$0x3FD0];
	_ =	sdelay $0x2  }
0x91: {  	s15 =	simm.s32 $0xA;
	s4 =	simm.s32 $0x10  }
0x92: {  	[smem:s4], [sflag:s15] =	dma.local [hbm:s2], $0x1  }
0x93: {  	_ =	swait.eq [sflag:s15], $0x1  }
0x94: {  	[sflag:s15] =	ssyncset.done $0x0  }
0x95: {  	s16 =	sld [smem:$0x10];
	[sflag:s15] =	ssyncadd.s32 $0xFFFFFFFF  }
0x96: {  	s17 =	sld [smem:$0x12];
	(tm) =	ssettm $0x1  }
0x97: {  	s18 =	sld [smem:$0x3FFB];
	_ =	sdelay $0x3  }
0x98: {  	_ =	strace s18  }
0x99: {  	s4 =	sld [smem:$0x3FFC];
	_ =	sdelay $0x3  }
0x9a: {  	_ =	strace s4  }
0x9b: {  	s4 =	sld [smem:$0x3FFD];
	_ =	sdelay $0x3  }
0x9c: {  	_ =	strace s4  }
0x9d: {  	_ =	strace $0x8FFFFFFF  }
0x9e: {  	s19 =	sld [smem:$0x3FDB];
	_ =	sdelay $0x1  }
0x9f: {  	s5 =	simm.s32 $_scs_section_size  }
0xa0: {  	s6 =	simm.s32 $_size__tile_overlayer_lowered;
	s7 =	simm.s32 $_tile_overlayer_lowered  }
0xa1: {  	s22 =	simm.s32 $0x1BFF;
	s21 =	sshll.u32 s7, $0x1;
	s4 =	sadd.s32 s5, s19  }
0xa2: {  	s8 =	simm.s32 $0x0;
	s20 =	sshll.u32 s6, $0x1;
	s6 =	sadd.s32 s21, s4  }
0xa3: {  	[timem:s8], [sflag:s22] =	dma.local [hbm:s6], s20  }
0xa4: {  	_ =	swait.ge [sflag:s22], s20  }
0xa5: {  	s5 =	ssub.s32 $0x0, s20;
	[sflag:s22] =	ssyncset.done $0x0  }
0xa6: {  	[sflag:s22] =	ssyncadd.s32 s5;
	_ =	sdelay $0x1  }
0xa7: {  	s23 =	simm.s32 $0x1B8B  }
0xa8: {  	_ =	swait.ge [sflag:s23], $0x1  }
0xa9: {  	[sflag:s23] =	ssyncset.done $0x0  }
0xaa: {  	s25 =	simm.s32 $0x1B8E;
	s24 =	sld [smem:$0x3FFE];
	[sflag:s23] =	ssyncadd.s32 $0xFFFFFFFF  }
0xab: {  	s26 =	simm.s32 $execute0_lowered;
	[smem:$0x3FD2] =	sst s25  }
0xac: {  	s6 =	sshll.u32 s26, $0x1;
	_ =	strace $0x80000046;
	[dreg:$0x1] =	wrdreg $0xFFFFFFFF  }
0xad: {  	s28 =	simm.s32 $_size_execute0_lowered;
	s4 =	sadd.s32 s4, s6;
	[dreg:$0x0] =	wrdreg $0x0  }
0xae: {  	s6 =	sshll.u32 s28, $0x1;
	[dreg:$0x2] =	wrdreg s4  }
0xaf: {  	[dreg:$0x3] =	wrdreg s6  }
0xb0: {  	[dreg:$0x4] =	wrdreg $0xC0  }
0xb1: {  	_ =	task [dreg:s8], $0x5FFFF  }
0xb2: {  	[dreg:$0x1] =	wrdreg $0xFFFFFFFF  }
0xb3: {  	[dreg:$0x0] =	wrdreg $0x60  }
0xb4: {  	[dreg:$0x2] =	wrdreg s17  }
0xb5: {  	[dreg:$0x3] =	wrdreg s24  }
0xb6: {  	[dreg:$0x4] =	wrdreg s16  }
0xb7: {  	[dreg:$0x5] =	wrdreg $0x9  }
0xb8: {  	_ =	task.clear_ibuf [dreg:s8], $0x6FFFF;
	_ =	strace $0x90000046  }
0xb9: {  	s29 =	simm.s32 $0x9;
	_ =	strace $0x80000048  }
0xba: {  	_ =	swait.ge [sflag:s29], $0x1  }
0xbb: {  	[sflag:s29] =	ssyncadd.s32 $0xFFFFFFFF  }
0xbc: {  	_ =	strace $0x90000048  }
0xbd: {  	_ =	sfence  }
0xbe: {  	s30 =	sld [smem:$0x0];
	_ =	sdelay $0x2  }
0xbf: {  	s31 =	sshll.u32 s1, $0xD;
	s1 =	sshrl.u32 s1, $0x2  }
0xc0: {  	s3 =	sand.u32 $0x4000, s31;
	s1 =	sadd.s32 s1, s30  }
0xc1: {  	s0 =	sor.u32 s3, s0;
	s1 =	sshll.u32 s1, $0x11  }
0xc2: {  	s0 =	sor.u32 s1, s0  }
0xc3: {  	s0 =	sadd.s32 $0x8F2B, s0  }
0xc4: {  	[sflag:s0] =	ssyncadd.remote.s32 $0x1  }
0xc5: {  	_ =	sfence.sel $0xFFFF  }
0xc6: {  	[dreg:$0x0] =	wrdreg $0xFFFFFFFF;
	(pc) =	sbr.abs _section_cstart, $3  }
0xc7: {  	[dreg:$0x1] =	wrdreg $0xFFFFFFFF  }
0xc8: {  	_ =	task.clear_ibuf [dreg:s8], $0x2FFFF;
	_ =	strace $0x9FFFFFFF  }
0xc9: {  	(tm) =	ssettm $0x7FFFFFFF  }
tec
execute0_lowered:
.L_overlay_start_1:
0x0: {  	(tag) =	ssettag $0x1  }
0x1: {  	s1 =	stileid.u32  }
0x2: {  	p0 =	sgt.u32 s1, $0x7  }
.Ltmp0:
0x3: {  	s3 =	rddreg [dreg:$0x0];
	(pc) =	sbr.rel @p0 .LBB2_4-.Ltmp0, $4  }
0x4: {  	s15 =	rddreg [dreg:$0x1]  }
0x5: {  	s23 =	rddreg [dreg:$0x2];
	s2 =	simm.s32 $0x0  }
0x6: {  	[smem:$0x7FF] =	sst s2  }
0x7: {  	s0 =	rddreg [dreg:$0x3];
	_ =	strace $0x80000047  }
0x8: {  	s4 =	srdreg.scid  }
0x9: {  	s26 =	sshll.u32 s1, $0x1;
	s25 =	sand.u32 $0x1, s4  }
0xa: {  	s16 =	sor.u32 s25, s26  }
0xb: {  	s4 =	smul.u32 $0x780, s16;
	_ =	sdelay $0x1  }
0xc: {  	s5 =	sadd.s32 $0x3000, s15;
	s6 =	smul.u32 $0x280, s16;
	s3 =	sadd.s32 s3, s4  }
0xd: {  	[tilespmem:s2], [sflag:$0x1] =	stream.linear.gather [hbm4b:s3+s2], $0x3C00, $0x38;
	[tilespmem:$0x19000] =	vst v63  }
0xe: {  	s4 =	sadd.s32 s5, s6;
	s5 =	simm.s32 $0x12C00  }
0xf: {  	[tilespmem:s5], [sflag:$0x1] =	stream.linear.gather [hbm4b:s4+s2], $0x1400, $0x38;
	[tilespmem:$0x19000] =	vst v63  }
0x10: {  	s6 =	simm.s32 $0x3C00  }
0x11: {  	[tilespmem:s6], [sflag:$0x1] =	stream.linear.gather [hbm4b:s3+s2], $0x3C00, $0x38;
	[tilespmem:$0x19000] =	vst v63  }
0x12: {  	s7 =	simm.s32 $0x14000  }
0x13: {  	[tilespmem:s7], [sflag:$0x1] =	stream.linear.gather [hbm4b:s4+s2], $0x1400, $0x38;
	[tilespmem:$0x19000] =	vst v63  }
0x14: {  	s8 =	simm.s32 $0x7800  }
0x15: {  	[tilespmem:s8], [sflag:$0x1] =	stream.linear.gather [hbm4b:s3+s2], $0x3C00, $0x38;
	[tilespmem:$0x19000] =	vst v63  }
0x16: {  	s9 =	simm.s32 $0x15400  }
0x17: {  	[tilespmem:s9], [sflag:$0x1] =	stream.linear.gather [hbm4b:s4+s2], $0x1400, $0x38;
	[tilespmem:$0x19000] =	vst v63  }
0x18: {  	s10 =	simm.s32 $0xB400  }
0x19: {  	[tilespmem:s10], [sflag:$0x1] =	stream.linear.gather [hbm4b:s3+s2], $0x3C00, $0x38;
	[tilespmem:$0x19000] =	vst v63  }
0x1a: {  	s11 =	simm.s32 $0x16800  }
0x1b: {  	[tilespmem:s11], [sflag:$0x1] =	stream.linear.gather [hbm4b:s4+s2], $0x1400, $0x38;
	[tilespmem:$0x19000] =	vst v63  }
0x1c: {  	s12 =	simm.s32 $0xF000  }
0x1d: {  	[tilespmem:s12], [sflag:$0x1] =	stream.linear.gather [hbm4b:s3+s2], $0x3C00, $0x38;
	[tilespmem:$0x19000] =	vst v63  }
0x1e: {  	s14 =	simm.s32 $0x17C00;
	s13 =	simm.s32 $0x1  }
0x1f: {  	[tilespmem:s14], [sflag:$0x1] =	stream.linear.gather [hbm4b:s4+s2], $0x1400, $0x38;
	[tilespmem:$0x19000] =	vst v63  }
0x20: {  	_ =	swait.ge [sflag:s13], $0x3C00  }
0x21: {  	[sflag:s13] =	ssyncset.done $0x0  }
0x22: {  	[sflag:s13] =	ssyncadd.s32 $0xFFFFC400  }
0x23: {  	_ =	swait.ge [sflag:s13], $0x1400  }
0x24: {  	[sflag:s13] =	ssyncset.done $0x0  }
0x25: {  	[sflag:s13] =	ssyncadd.s32 $0xFFFFEC00  }
0x26: {  	_ =	swait.ge [sflag:s13], $0x3C00  }
0x27: {  	[sflag:s13] =	ssyncset.done $0x0  }
0x28: {  	[sflag:s13] =	ssyncadd.s32 $0xFFFFC400  }
0x29: {  	_ =	swait.ge [sflag:s13], $0x1400  }
0x2a: {  	[sflag:s13] =	ssyncset.done $0x0  }
0x2b: {  	[sflag:s13] =	ssyncadd.s32 $0xFFFFEC00  }
0x2c: {  	_ =	swait.ge [sflag:s13], $0x3C00  }
0x2d: {  	[sflag:s13] =	ssyncset.done $0x0  }
0x2e: {  	[sflag:s13] =	ssyncadd.s32 $0xFFFFC400  }
0x2f: {  	_ =	swait.ge [sflag:s13], $0x1400  }
0x30: {  	[sflag:s13] =	ssyncset.done $0x0  }
0x31: {  	[sflag:s13] =	ssyncadd.s32 $0xFFFFEC00  }
0x32: {  	_ =	swait.ge [sflag:s13], $0x3C00  }
0x33: {  	[sflag:s13] =	ssyncset.done $0x0  }
0x34: {  	[sflag:s13] =	ssyncadd.s32 $0xFFFFC400  }
0x35: {  	_ =	swait.ge [sflag:s13], $0x1400  }
0x36: {  	[sflag:s13] =	ssyncset.done $0x0  }
0x37: {  	[sflag:s13] =	ssyncadd.s32 $0xFFFFEC00  }
0x38: {  	s21 =	smul.u32 $0x3E8, s16;
	_ =	swait.ge [sflag:s13], $0x3C00  }
0x39: {  	[sflag:s13] =	ssyncset.done $0x0  }
0x3a: {  	s17 =	sshrl.u32 s21, $0x3;
	[sflag:s13] =	ssyncadd.s32 $0xFFFFC400  }
0x3b: {  	s24 =	sadd.s32 $0x5800, s15;
	s17 =	smul.u32 $0x180, s17;
	_ =	swait.ge [sflag:s13], $0x1400  }
0x3c: {  	s16 =	smul.u32 $0x3E80, s16;
	s18 =	sadd.s32 $0xC8, s21;
	[sflag:s13] =	ssyncset.done $0x0  }
0x3d: {  	s28 =	sshrl.u32 s18, $0x3;
	s15 =	sadd.s32 s23, s17;
	[sflag:s13] =	ssyncadd.s32 $0xFFFFEC00  }
0x3e: {  	[hbm4b:s15+s2] =	stream.linear.scatter [tilespmem:s2], [sflag:$0x1], $0x12C00, $0x38;
	[tilespmem:$0x19000] =	vst v63  }
0x3f: {  	s16 =	sadd.s32 s24, s16;
	s20 =	sadd.s32 $0x190, s21;
	s17 =	smul.u32 $0x180, s28  }
0x40: {  	[hbm4b:s16+s2] =	stream.linear.scatter [tilespmem:s5], [sflag:$0x1], $0x6400, $0x38;
	[tilespmem:$0x19000] =	vst v63  }
0x41: {  	s18 =	sshll.u32 s18, $0x4;
	s19 =	sshrl.u32 s20, $0x3;
	s17 =	sadd.s32 s23, s17  }
0x42: {  	[hbm4b:s17+s2] =	stream.linear.scatter [tilespmem:s2], [sflag:$0x1], $0x12C00, $0x38;
	[tilespmem:$0x19000] =	vst v63  }
0x43: {  	s22 =	sadd.s32 $0x258, s21;
	s18 =	sadd.s32 s24, s18;
	s19 =	smul.u32 $0x180, s19  }
0x44: {  	[hbm4b:s18+s2] =	stream.linear.scatter [tilespmem:s5], [sflag:$0x1], $0x6400, $0x38;
	[tilespmem:$0x19000] =	vst v63  }
0x45: {  	s20 =	sshll.u32 s20, $0x4;
	s26 =	sshrl.u32 s22, $0x3;
	s19 =	sadd.s32 s23, s19  }
0x46: {  	[hbm4b:s19+s2] =	stream.linear.scatter [tilespmem:s2], [sflag:$0x1], $0x12C00, $0x38;
	[tilespmem:$0x19000] =	vst v63  }
0x47: {  	s20 =	sadd.s32 s24, s20;
	s26 =	smul.u32 $0x180, s26;
	s28 =	sadd.s32 $0x320, s21  }
0x48: {  	[hbm4b:s20+s2] =	stream.linear.scatter [tilespmem:s5], [sflag:$0x1], $0x6400, $0x38;
	[tilespmem:$0x19000] =	vst v63  }
0x49: {  	s22 =	sshll.u32 s22, $0x4;
	s21 =	sadd.s32 s23, s26;
	s29 =	sshrl.u32 s28, $0x3  }
0x4a: {  	[hbm4b:s21+s2] =	stream.linear.scatter [tilespmem:s2], [sflag:$0x1], $0x12C00, $0x38;
	[tilespmem:$0x19000] =	vst v63  }
0x4b: {  	s22 =	sadd.s32 s24, s22;
	s26 =	smul.u32 $0x180, s29  }
0x4c: {  	[hbm4b:s22+s2] =	stream.linear.scatter [tilespmem:s5], [sflag:$0x1], $0x6400, $0x38;
	[tilespmem:$0x19000] =	vst v63  }
0x4d: {  	s30 =	sshll.u32 s28, $0x4;
	s23 =	sadd.s32 s23, s26  }
0x4e: {  	[hbm4b:s23+s2] =	stream.linear.scatter [tilespmem:s2], [sflag:$0x1], $0x12C00, $0x38;
	[tilespmem:$0x19000] =	vst v63  }
0x4f: {  	s24 =	sadd.s32 s24, s30  }
0x50: {  	[hbm4b:s24+s2] =	stream.linear.scatter [tilespmem:s5], [sflag:$0x1], $0x6400, $0x38;
	[tilespmem:$0x19000] =	vst v63  }
0x51: {  	_ =	swait.ge [sflag:s13], $0x12C00  }
0x52: {  	[sflag:s13] =	ssyncset.done $0x0  }
0x53: {  	[sflag:s13] =	ssyncadd.s32 $0xFFFED400  }
0x54: {  	_ =	swait.ge [sflag:s13], $0x6400  }
0x55: {  	[sflag:s13] =	ssyncset.done $0x0  }
0x56: {  	[sflag:s13] =	ssyncadd.s32 $0xFFFF9C00  }
0x57: {  	_ =	swait.ge [sflag:s13], $0x12C00  }
0x58: {  	[sflag:s13] =	ssyncset.done $0x0  }
0x59: {  	[sflag:s13] =	ssyncadd.s32 $0xFFFED400  }
0x5a: {  	_ =	swait.ge [sflag:s13], $0x6400  }
0x5b: {  	[sflag:s13] =	ssyncset.done $0x0  }
0x5c: {  	[sflag:s13] =	ssyncadd.s32 $0xFFFF9C00  }
0x5d: {  	_ =	swait.ge [sflag:s13], $0x12C00  }
0x5e: {  	[sflag:s13] =	ssyncset.done $0x0  }
0x5f: {  	[sflag:s13] =	ssyncadd.s32 $0xFFFED400  }
0x60: {  	_ =	swait.ge [sflag:s13], $0x6400  }
0x61: {  	[sflag:s13] =	ssyncset.done $0x0  }
0x62: {  	[sflag:s13] =	ssyncadd.s32 $0xFFFF9C00  }
0x63: {  	_ =	swait.ge [sflag:s13], $0x12C00  }
0x64: {  	s25 =	ssub.s32 $0x2, s25;
	[sflag:s13] =	ssyncset.done $0x0  }
0x65: {  	s31 =	sshrl.u32 s25, $0x1;
	[sflag:s13] =	ssyncadd.s32 $0xFFFED400  }
0x66: {  	s25 =	ssub.s32 s25, s31;
	_ =	swait.ge [sflag:s13], $0x6400  }
0x67: {  	s25 =	smax.u32 s25, $0x1;
	[sflag:s13] =	ssyncset.done $0x0  }
0x68: {  	p0 =	sne.s32 s25, $0x1;
	[sflag:s13] =	ssyncadd.s32 $0xFFFF9C00  }
.Ltmp1:
0x69: {  	_ =	swait.ge [sflag:s13], $0x12C00;
	(pc) =	sbr.rel @!p0 .LBB2_3-.Ltmp1, $4  }
0x6a: {  	[sflag:s13] =	ssyncset.done $0x0  }
0x6b: {  	[sflag:s13] =	ssyncadd.s32 $0xFFFED400  }
0x6c: {  	_ =	swait.ge [sflag:s13], $0x6400  }
0x6d: {  	s25 =	sadd.s32 $0xFFFFFFFF, s25;
	[sflag:s13] =	ssyncset.done $0x0  }
.LBB2_2:
0x6e: {  	p0 =	sne.s32 s25, $0x1;
	s25 =	sadd.s32 $0xFFFFFFFF, s25;
	[sflag:s13] =	ssyncadd.s32 $0xFFFF9C00  }
0x6f: {  	[tilespmem:s2], [sflag:$0x1] =	stream.linear.gather [hbm4b:s3+s2], $0x3C00, $0x38;
	[tilespmem:$0x19000] =	vst v63  }
0x70: {  	_ = 	snop  }
0x71: {  	[tilespmem:s5], [sflag:$0x1] =	stream.linear.gather [hbm4b:s4+s2], $0x1400, $0x38;
	[tilespmem:$0x19000] =	vst v63  }
0x72: {  	_ = 	snop  }
0x73: {  	[tilespmem:s6], [sflag:$0x1] =	stream.linear.gather [hbm4b:s3+s2], $0x3C00, $0x38;
	[tilespmem:$0x19000] =	vst v63  }
0x74: {  	_ = 	snop  }
0x75: {  	[tilespmem:s7], [sflag:$0x1] =	stream.linear.gather [hbm4b:s4+s2], $0x1400, $0x38;
	[tilespmem:$0x19000] =	vst v63  }
0x76: {  	_ = 	snop  }
0x77: {  	[tilespmem:s8], [sflag:$0x1] =	stream.linear.gather [hbm4b:s3+s2], $0x3C00, $0x38;
	[tilespmem:$0x19000] =	vst v63  }
0x78: {  	_ = 	snop  }
0x79: {  	[tilespmem:s9], [sflag:$0x1] =	stream.linear.gather [hbm4b:s4+s2], $0x1400, $0x38;
	[tilespmem:$0x19000] =	vst v63  }
0x7a: {  	_ = 	snop  }
0x7b: {  	[tilespmem:s10], [sflag:$0x1] =	stream.linear.gather [hbm4b:s3+s2], $0x3C00, $0x38;
	[tilespmem:$0x19000] =	vst v63  }
0x7c: {  	_ = 	snop  }
0x7d: {  	[tilespmem:s11], [sflag:$0x1] =	stream.linear.gather [hbm4b:s4+s2], $0x1400, $0x38;
	[tilespmem:$0x19000] =	vst v63  }
0x7e: {  	_ = 	snop  }
0x7f: {  	[tilespmem:s12], [sflag:$0x1] =	stream.linear.gather [hbm4b:s3+s2], $0x3C00, $0x38;
	[tilespmem:$0x19000] =	vst v63  }
0x80: {  	_ = 	snop  }
0x81: {  	[tilespmem:s14], [sflag:$0x1] =	stream.linear.gather [hbm4b:s4+s2], $0x1400, $0x38;
	[tilespmem:$0x19000] =	vst v63  }
0x82: {  	_ =	swait.ge [sflag:s13], $0x3C00  }
0x83: {  	[sflag:s13] =	ssyncset.done $0x0  }
0x84: {  	[sflag:s13] =	ssyncadd.s32 $0xFFFFC400  }
0x85: {  	_ =	swait.ge [sflag:s13], $0x1400  }
0x86: {  	[sflag:s13] =	ssyncset.done $0x0  }
0x87: {  	[sflag:s13] =	ssyncadd.s32 $0xFFFFEC00  }
0x88: {  	_ =	swait.ge [sflag:s13], $0x3C00  }
0x89: {  	[sflag:s13] =	ssyncset.done $0x0  }
0x8a: {  	[sflag:s13] =	ssyncadd.s32 $0xFFFFC400  }
0x8b: {  	_ =	swait.ge [sflag:s13], $0x1400  }
0x8c: {  	[sflag:s13] =	ssyncset.done $0x0  }
0x8d: {  	[sflag:s13] =	ssyncadd.s32 $0xFFFFEC00  }
0x8e: {  	_ =	swait.ge [sflag:s13], $0x3C00  }
0x8f: {  	[sflag:s13] =	ssyncset.done $0x0  }
0x90: {  	[sflag:s13] =	ssyncadd.s32 $0xFFFFC400  }
0x91: {  	_ =	swait.ge [sflag:s13], $0x1400  }
0x92: {  	[sflag:s13] =	ssyncset.done $0x0  }
0x93: {  	[sflag:s13] =	ssyncadd.s32 $0xFFFFEC00  }
0x94: {  	_ =	swait.ge [sflag:s13], $0x3C00  }
0x95: {  	[sflag:s13] =	ssyncset.done $0x0  }
0x96: {  	[sflag:s13] =	ssyncadd.s32 $0xFFFFC400  }
0x97: {  	_ =	swait.ge [sflag:s13], $0x1400  }
0x98: {  	[sflag:s13] =	ssyncset.done $0x0  }
0x99: {  	[sflag:s13] =	ssyncadd.s32 $0xFFFFEC00  }
0x9a: {  	_ =	swait.ge [sflag:s13], $0x3C00  }
0x9b: {  	[sflag:s13] =	ssyncset.done $0x0  }
0x9c: {  	[sflag:s13] =	ssyncadd.s32 $0xFFFFC400  }
0x9d: {  	_ =	swait.ge [sflag:s13], $0x1400  }
0x9e: {  	[sflag:s13] =	ssyncset.done $0x0  }
0x9f: {  	[sflag:s13] =	ssyncadd.s32 $0xFFFFEC00  }
0xa0: {  	[hbm4b:s15+s2] =	stream.linear.scatter [tilespmem:s2], [sflag:$0x1], $0x12C00, $0x38;
	[tilespmem:$0x19000] =	vst v63  }
0xa1: {  	_ = 	snop  }
0xa2: {  	[hbm4b:s16+s2] =	stream.linear.scatter [tilespmem:s5], [sflag:$0x1], $0x6400, $0x38;
	[tilespmem:$0x19000] =	vst v63  }
0xa3: {  	_ = 	snop  }
0xa4: {  	[hbm4b:s17+s2] =	stream.linear.scatter [tilespmem:s2], [sflag:$0x1], $0x12C00, $0x38;
	[tilespmem:$0x19000] =	vst v63  }
0xa5: {  	_ = 	snop  }
0xa6: {  	[hbm4b:s18+s2] =	stream.linear.scatter [tilespmem:s5], [sflag:$0x1], $0x6400, $0x38;
	[tilespmem:$0x19000] =	vst v63  }
0xa7: {  	_ = 	snop  }
0xa8: {  	[hbm4b:s19+s2] =	stream.linear.scatter [tilespmem:s2], [sflag:$0x1], $0x12C00, $0x38;
	[tilespmem:$0x19000] =	vst v63  }
0xa9: {  	_ = 	snop  }
0xaa: {  	[hbm4b:s20+s2] =	stream.linear.scatter [tilespmem:s5], [sflag:$0x1], $0x6400, $0x38;
	[tilespmem:$0x19000] =	vst v63  }
0xab: {  	_ = 	snop  }
0xac: {  	[hbm4b:s21+s2] =	stream.linear.scatter [tilespmem:s2], [sflag:$0x1], $0x12C00, $0x38;
	[tilespmem:$0x19000] =	vst v63  }
0xad: {  	_ = 	snop  }
0xae: {  	[hbm4b:s22+s2] =	stream.linear.scatter [tilespmem:s5], [sflag:$0x1], $0x6400, $0x38;
	[tilespmem:$0x19000] =	vst v63  }
0xaf: {  	_ = 	snop  }
0xb0: {  	[hbm4b:s23+s2] =	stream.linear.scatter [tilespmem:s2], [sflag:$0x1], $0x12C00, $0x38;
	[tilespmem:$0x19000] =	vst v63  }
0xb1: {  	_ = 	snop  }
0xb2: {  	[hbm4b:s24+s2] =	stream.linear.scatter [tilespmem:s5], [sflag:$0x1], $0x6400, $0x38;
	[tilespmem:$0x19000] =	vst v63  }
0xb3: {  	_ =	swait.ge [sflag:s13], $0x12C00  }
0xb4: {  	[sflag:s13] =	ssyncset.done $0x0  }
0xb5: {  	[sflag:s13] =	ssyncadd.s32 $0xFFFED400  }
0xb6: {  	_ =	swait.ge [sflag:s13], $0x6400  }
0xb7: {  	[sflag:s13] =	ssyncset.done $0x0  }
0xb8: {  	[sflag:s13] =	ssyncadd.s32 $0xFFFF9C00  }
0xb9: {  	_ =	swait.ge [sflag:s13], $0x12C00  }
0xba: {  	[sflag:s13] =	ssyncset.done $0x0  }
0xbb: {  	[sflag:s13] =	ssyncadd.s32 $0xFFFED400  }
0xbc: {  	_ =	swait.ge [sflag:s13], $0x6400  }
0xbd: {  	[sflag:s13] =	ssyncset.done $0x0  }
0xbe: {  	[sflag:s13] =	ssyncadd.s32 $0xFFFF9C00  }
0xbf: {  	_ =	swait.ge [sflag:s13], $0x12C00  }
0xc0: {  	[sflag:s13] =	ssyncset.done $0x0  }
0xc1: {  	[sflag:s13] =	ssyncadd.s32 $0xFFFED400  }
0xc2: {  	_ =	swait.ge [sflag:s13], $0x6400  }
0xc3: {  	[sflag:s13] =	ssyncset.done $0x0  }
0xc4: {  	[sflag:s13] =	ssyncadd.s32 $0xFFFF9C00  }
0xc5: {  	_ =	swait.ge [sflag:s13], $0x12C00  }
0xc6: {  	[sflag:s13] =	ssyncset.done $0x0  }
0xc7: {  	[sflag:s13] =	ssyncadd.s32 $0xFFFED400  }
0xc8: {  	_ =	swait.ge [sflag:s13], $0x6400  }
0xc9: {  	[sflag:s13] =	ssyncset.done $0x0  }
0xca: {  	[sflag:s13] =	ssyncadd.s32 $0xFFFF9C00  }
.Ltmp2:
0xcb: {  	_ =	swait.ge [sflag:s13], $0x12C00;
	(pc) =	sbr.rel @p0 .LBB2_2-.Ltmp2, $4  }
0xcc: {  	[sflag:s13] =	ssyncset.done $0x0  }
0xcd: {  	[sflag:s13] =	ssyncadd.s32 $0xFFFED400  }
0xce: {  	_ =	swait.ge [sflag:s13], $0x6400  }
0xcf: {  	[sflag:s13] =	ssyncset.done $0x0  }
.LBB2_3:
0xd0: {  	[sflag:s13] =	ssyncadd.s32 $0xFFFF9C00  }
.LBB2_4:
0xd1: {  	_ =	sfence.sel $0x180000  }
0xd2: {  	[bflag:$0x0] =	sbarrier.arrive $0xFFFF  }
0xd3: {  	p0 =	sne.s32 s1, $0x0;
	_ =	strace $0x90000047  }
0xd4: {  	s0 =	sadd.s32 @!p0 $0x100000, s0;
	[bflag:$0x2] =	sbarrier.arrive $0xFFFF  }
0xd5: {  	[sflag:s0] =	ssyncadd.tile.s32 @!p0 $0x1;
	_ =	shalt  }
.Lfunc_end2:
_tile_overlayer_lowered:
.L_overlay_start_2:
0xd6: {  	(tag) =	ssettag $0x2  }
0xd7: {  	s0 =	rddreg [dreg:$0x0];
	s2 =	stileid.u32  }
0xd8: {  	s1 =	rddreg [dreg:$0x1];
	p0 =	sne.s32 s2, $0x0  }
0xd9: {  	s3 =	rddreg [dreg:$0x2];
	[bflag:$0x3] =	sbarrier.arrive $0xFFFF;
	s2 =	simm.s32 @!p0 $0x1C02  }
0xda: {  	[timem:s3], [sflag:s2] =	dma.local @!p0 [hbm:s0], s1  }
0xdb: {  	s0 =	simm.s32 @!p0 $0x2  }
0xdc: {  	_ =	swait.ge @!p0 [sflag:s0], s1  }
0xdd: {  	s1 =	ssub.s32 @!p0 $0x0, s1;
	[sflag:s0] =	ssyncset.done @!p0 $0x0  }
0xde: {  	[sflag:s0] =	ssyncadd.s32 @!p0 s1  }
0xdf: {  	[bflag:$0x3] =	sbarrier.arrive $0xFFFF  }
0xe0: {  	_ =	shalt  }

</sc_bundles>
